<compile_context>
chip_gen: v7x
topology: tpu7x:2x2x1
jax: 0.10.2.dev20260603
libtpu: 0.0.44.dev20260713+nightly
codegen_flags: <defaults>
</compile_context>

<pallas_src>
import functools

import jax
import jax.numpy as jnp
from jax import lax
from jax.experimental import pallas as pl
from jax.experimental.pallas import tpu as pltpu
from jax.experimental.pallas import tpu_sc as plsc

B = 16384
D = 16
NC = 2
NS = 16
NW = NC * NS
BPW = B // NW
L = 16

_mesh = plsc.VectorSubcoreMesh(core_axis_name="c", subcore_axis_name="s")


@functools.partial(
    pl.kernel,
    mesh=_mesh,
    out_type=[
        jax.ShapeDtypeStruct((B, D), jnp.float32),
        jax.ShapeDtypeStruct((B, D), jnp.float32),
        jax.ShapeDtypeStruct((B, D), jnp.float32),
    ],
    scratch_types=[
        pltpu.VMEM((2 * BPW,), jnp.int32),
        pltpu.VMEM((BPW,), jnp.int32),
        pltpu.VMEM((BPW,), jnp.int32),
        pltpu.VMEM((BPW, D), jnp.float32),
        pltpu.VMEM((BPW, D), jnp.float32),
        pltpu.SemaphoreType.DMA,
        pltpu.SemaphoreType.DMA,
        pltpu.SemaphoreType.DMA,
    ],
    compiler_params=pltpu.CompilerParams(use_tc_tiling_on_sc=False),
)
def _emb_lookup(ids_hbm, table_hbm, out1, out2, out3,
                pairs_v, idx1_v, idx2_v, rows1_v, rows2_v,
                sem1, sem2, semo):
    wid = lax.axis_index("s") * NC + lax.axis_index("c")
    base = pl.multiple_of(wid * BPW, BPW)
    pltpu.sync_copy(ids_hbm.at[pl.ds(2 * base, 2 * BPW)], pairs_v)
    lane = lax.iota(jnp.int32, L)
    ev_pat = (2 * lane) & (L - 1)
    od_pat = (2 * lane + 1) & (L - 1)
    lo_half = lane < (L // 2)
    dnums = lax.GatherDimensionNumbers(
        offset_dims=(), collapsed_slice_dims=(0,), start_index_map=(0,))

    def _vgather(vec, pat):
        return lax.gather(vec, pat[:, None], dnums, slice_sizes=(1,),
                          mode=lax.GatherScatterMode.PROMISE_IN_BOUNDS)

    for j in range(BPW // L):
        a = pairs_v[pl.ds(2 * j * L, L)]
        b = pairs_v[pl.ds(2 * j * L + L, L)]
        idx1_v[pl.ds(j * L, L)] = jnp.where(
            lo_half, _vgather(a, ev_pat), _vgather(b, ev_pat))
        idx2_v[pl.ds(j * L, L)] = jnp.where(
            lo_half, _vgather(a, od_pat), _vgather(b, od_pat))

    g1 = pltpu.async_copy(table_hbm.at[idx1_v], rows1_v, sem1)
    g2 = pltpu.async_copy(table_hbm.at[idx2_v], rows2_v, sem2)
    g1.wait()
    o1 = pltpu.async_copy(rows1_v, out1.at[pl.ds(base, BPW)], semo)
    g2.wait()
    o2 = pltpu.async_copy(rows2_v, out2.at[pl.ds(base, BPW)], semo)
    o3 = pltpu.async_copy(rows2_v.at[pl.ds(0, BPW - 1)],
                          out3.at[pl.ds(base + 1, BPW - 1)], semo)
    nxt = lax.rem(base + BPW, B)
    o4 = pltpu.async_copy(rows2_v.at[pl.ds(BPW - 1, 1)],
                          out3.at[pl.ds(nxt, 1)], semo)
    o1.wait()
    o2.wait()
    o3.wait()
    o4.wait()


def kernel(input_ids, node_embedding):
    ids_flat = input_ids.reshape(2 * B)
    out1, out2, out3 = _emb_lookup(ids_flat, node_embedding)
    return out1, out2, out3

# --- scband reference (transcript-rebuilt; emitter-appended) ---
"""Pipeline reference for scband-contrastive-embeddings-model-88081189306644 (READ-ONLY COPY).

The authoritative reference and input builder live on the scoring server;
editing this copy changes nothing except your own understanding.
"""

import jax, jax.numpy as jnp
import numpy as np

VOCAB = 1000000
LATENT = 16
BATCH = 16384
SEQ = 2

def setup_inputs(seed: int = 0) -> dict:
    key = jax.random.key(seed)
    k1, k2 = jax.random.split(key)
    input_ids = jax.random.randint(k1, (BATCH, SEQ), 0, VOCAB, dtype=jnp.int32)
    # nn.Embedding default init: N(0, 1)
    node_embedding = jax.random.normal(k2, (VOCAB, LATENT), dtype=jnp.float32)
    return {"input_ids": input_ids, "node_embedding": node_embedding}

def reference(input_ids, node_embedding):
    # torch forward takes batch dict and reads batch['input_ids']; we pass input_ids directly.
    embs = jnp.take(node_embedding, input_ids, axis=0)  # [B, S, latent]
    emb1 = embs[:, 0]
    emb2 = embs[:, 1]
    emb3 = jnp.roll(emb2, 1, axis=0)
    # logits is None in the torch module; return the three embedding tensors
    return emb1, emb2, emb3

if __name__ == "__main__":
    import jax
    _d = setup_inputs()
    print(jax.jit(kernel)(*tuple(_d.values())))

</pallas_src>

<mosaic_0001>
#map = affine_map<(d0, d1) -> (0)>
#map1 = affine_map<(d0, d1) -> (0, 0)>
module attributes {stable_mosaic.version = 14 : i64} {
  func.func @_emb_lookup(%arg0: i32, %arg1: i32, %arg2: memref<32768xi32, #tpu.memory_space<hbm>>, %arg3: memref<1000000x16xf32, #tpu.memory_space<hbm>>, %arg4: memref<16384x16xf32, #tpu.memory_space<hbm>>, %arg5: memref<16384x16xf32, #tpu.memory_space<hbm>>, %arg6: memref<16384x16xf32, #tpu.memory_space<hbm>>, %arg7: memref<1024xi32, #tpu.memory_space<vmem>>, %arg8: memref<512xi32, #tpu.memory_space<vmem>>, %arg9: memref<512xi32, #tpu.memory_space<vmem>>, %arg10: memref<512x16xf32, #tpu.memory_space<vmem>>, %arg11: memref<512x16xf32, #tpu.memory_space<vmem>>, %arg12: memref<!tpu.dma_semaphore, #tpu.memory_space<semaphore_mem>>, %arg13: memref<!tpu.dma_semaphore, #tpu.memory_space<semaphore_mem>>, %arg14: memref<!tpu.dma_semaphore, #tpu.memory_space<semaphore_mem>>) attributes {dimension_semantics = [#tpu.dimension_semantics<core_parallel>, #tpu.dimension_semantics<subcore_parallel>], iteration_bounds = array<i64: 2, 16>, scalar_prefetch = 0 : i64, scratch_operands = 8 : i64, tpu.core_type = #tpu.core_type<sc_vector_subcore>, window_params = [{transform_indices = #map}, {transform_indices = #map1}, {transform_indices = #map1}, {transform_indices = #map1}, {transform_indices = #map1}]} {
    %mul3A = arith.constant 2 : i32
    %mul3A_0 = arith.muli %arg1, %mul3A : i32
    %add3A = arith.addi %mul3A_0, %arg0 : i32
    %mul3A_1 = arith.constant 512 : i32
    %mul3A_2 = arith.muli %add3A, %mul3A_1 : i32
    %multiple_of3A = tpu.assume_multiple %mul3A_2, 512 : i32
    %mul3A_3 = arith.constant 2 : i32
    %mul3A_4 = arith.muli %mul3A_3, %multiple_of3A : i32
    "tpu.region"() ({
      %run_scoped3A = tpu.sem_alloc : memref<!tpu.dma_semaphore, #tpu.memory_space<semaphore_mem>>
      %dma_start3A_983 = tpu.memref_slice %arg2[%mul3A_4] : memref<32768xi32, #tpu.memory_space<hbm>> -> memref<1024xi32, #tpu.memory_space<hbm>>
      %dma_start3A_984 = tpu.memref_slice %arg2[%mul3A_4] : memref<32768xi32, #tpu.memory_space<hbm>> -> memref<1024xi32, #tpu.memory_space<hbm>>
      tpu.enqueue_dma source(%dma_start3A_984 : memref<1024xi32, #tpu.memory_space<hbm>>) target(%arg7 : memref<1024xi32, #tpu.memory_space<vmem>>) target_semaphore(%run_scoped3A : memref<!tpu.dma_semaphore, #tpu.memory_space<semaphore_mem>>)
      %dma_wait3A_985 = tpu.memref_slice %arg2[%mul3A_4] : memref<32768xi32, #tpu.memory_space<hbm>> -> memref<1024xi32, #tpu.memory_space<hbm>>
      %dma_wait3A_986 = tpu.memref_slice %arg2[%mul3A_4] : memref<32768xi32, #tpu.memory_space<hbm>> -> memref<1024xi32, #tpu.memory_space<hbm>>
      tpu.wait_dma2 semaphore(%run_scoped3A : memref<!tpu.dma_semaphore, #tpu.memory_space<semaphore_mem>>) src(%dma_wait3A_986 : memref<1024xi32, #tpu.memory_space<hbm>>) dst(%arg7 : memref<1024xi32, #tpu.memory_space<vmem>>)
      tpu.yield
    }) : () -> ()
    %iota3A = tpu.iota {dimensions = array<i32: 0>} : vector<16xi32>
    %mul3A_5 = arith.constant 2 : i32
    %mul3A_6 = vector.broadcast %mul3A_5 : i32 to vector<16xi32>
    %mul3A_7 = arith.muli %mul3A_6, %iota3A : vector<16xi32>
    %and3A = arith.constant 15 : i32
    %and3A_8 = vector.broadcast %and3A : i32 to vector<16xi32>
    %and3A_9 = arith.andi %mul3A_7, %and3A_8 : vector<16xi32>
    %mul3A_10 = arith.constant 2 : i32
    %mul3A_11 = vector.broadcast %mul3A_10 : i32 to vector<16xi32>
    %mul3A_12 = arith.muli %mul3A_11, %iota3A : vector<16xi32>
    %add3A_13 = arith.constant 1 : i32
    %add3A_14 = vector.broadcast %add3A_13 : i32 to vector<16xi32>
    %add3A_15 = arith.addi %mul3A_12, %add3A_14 : vector<16xi32>
    %and3A_16 = arith.constant 15 : i32
    %and3A_17 = vector.broadcast %and3A_16 : i32 to vector<16xi32>
    %and3A_18 = arith.andi %add3A_15, %and3A_17 : vector<16xi32>
    %lt3A = arith.constant 8 : i32
    %lt3A_19 = vector.broadcast %lt3A : i32 to vector<16xi32>
    %lt3A_20 = arith.cmpi slt, %iota3A, %lt3A_19 : vector<16xi32>
    %get3A = arith.constant 0 : index
    %get3A_21 = tpu.vector_load %arg7[%get3A] {strides = array<i32>} : memref<1024xi32, #tpu.memory_space<vmem>>, vector<16xi32>,
    %get3A_22 = vector.shape_cast %get3A_21 : vector<16xi32> to vector<16xi32>
    %get3A_23 = arith.constant 16 : index
    %get3A_24 = tpu.vector_load %arg7[%get3A_23] {strides = array<i32>} : memref<1024xi32, #tpu.memory_space<vmem>>, vector<16xi32>,
    %get3A_25 = vector.shape_cast %get3A_24 : vector<16xi32> to vector<16xi32>
    %broadcast_in_dim3A = vector.shape_cast %and3A_9 : vector<16xi32> to vector<16x1xi32>
    %gather3A = vector.shape_cast %broadcast_in_dim3A : vector<16x1xi32> to vector<16xi32>
    %gather3A_26 = tpu.dynamic_gather %get3A_22[%gather3A] in [0] : vector<16xi32>, vector<16xi32> -> vector<16xi32>
    %broadcast_in_dim3A_27 = vector.shape_cast %and3A_9 : vector<16xi32> to vector<16x1xi32>
    %gather3A_28 = vector.shape_cast %broadcast_in_dim3A_27 : vector<16x1xi32> to vector<16xi32>
    %gather3A_29 = tpu.dynamic_gather %get3A_25[%gather3A_28] in [0] : vector<16xi32>, vector<16xi32> -> vector<16xi32>
    %select_n3A = arith.select %lt3A_20, %gather3A_26, %gather3A_29 : vector<16xi1>, vector<16xi32>
    %swap3A = arith.constant 0 : index
    %swap3A_30 = tpu.vector_load %arg8[%swap3A] {strides = array<i32>} : memref<512xi32, #tpu.memory_space<vmem>>, vector<16xi32>,
    %swap3A_31 = vector.shape_cast %swap3A_30 : vector<16xi32> to vector<16xi32>
    %swap3A_32 = vector.shape_cast %select_n3A : vector<16xi32> to vector<16xi32>
    tpu.vector_store %arg8[%swap3A], %swap3A_32 {strides = array<i32>} : memref<512xi32, #tpu.memory_space<vmem>>, vector<16xi32>,
    %broadcast_in_dim3A_33 = vector.shape_cast %and3A_18 : vector<16xi32> to vector<16x1xi32>
    %gather3A_34 = vector.shape_cast %broadcast_in_dim3A_33 : vector<16x1xi32> to vector<16xi32>
    %gather3A_35 = tpu.dynamic_gather %get3A_22[%gather3A_34] in [0] : vector<16xi32>, vector<16xi32> -> vector<16xi32>
    %broadcast_in_dim3A_36 = vector.shape_cast %and3A_18 : vector<16xi32> to vector<16x1xi32>
    %gather3A_37 = vector.shape_cast %broadcast_in_dim3A_36 : vector<16x1xi32> to vector<16xi32>
    %gather3A_38 = tpu.dynamic_gather %get3A_25[%gather3A_37] in [0] : vector<16xi32>, vector<16xi32> -> vector<16xi32>
    %select_n3A_39 = arith.select %lt3A_20, %gather3A_35, %gather3A_38 : vector<16xi1>, vector<16xi32>
    %swap3A_40 = arith.constant 0 : index
    %swap3A_41 = tpu.vector_load %arg9[%swap3A_40] {strides = array<i32>} : memref<512xi32, #tpu.memory_space<vmem>>, vector<16xi32>,
    %swap3A_42 = vector.shape_cast %swap3A_41 : vector<16xi32> to vector<16xi32>
    %swap3A_43 = vector.shape_cast %select_n3A_39 : vector<16xi32> to vector<16xi32>
    tpu.vector_store %arg9[%swap3A_40], %swap3A_43 {strides = array<i32>} : memref<512xi32, #tpu.memory_space<vmem>>, vector<16xi32>,
    %get3A_44 = arith.constant 32 : index
    %get3A_45 = tpu.vector_load %arg7[%get3A_44] {strides = array<i32>} : memref<1024xi32, #tpu.memory_space<vmem>>, vector<16xi32>,
    %get3A_46 = vector.shape_cast %get3A_45 : vector<16xi32> to vector<16xi32>
    %get3A_47 = arith.constant 48 : index
    %get3A_48 = tpu.vector_load %arg7[%get3A_47] {strides = array<i32>} : memref<1024xi32, #tpu.memory_space<vmem>>, vector<16xi32>,
    %get3A_49 = vector.shape_cast %get3A_48 : vector<16xi32> to vector<16xi32>
    %broadcast_in_dim3A_50 = vector.shape_cast %and3A_9 : vector<16xi32> to vector<16x1xi32>
    %gather3A_51 = vector.shape_cast %broadcast_in_dim3A_50 : vector<16x1xi32> to vector<16xi32>
    %gather3A_52 = tpu.dynamic_gather %get3A_46[%gather3A_51] in [0] : vector<16xi32>, vector<16xi32> -> vector<16xi32>
    %broadcast_in_dim3A_53 = vector.shape_cast %and3A_9 : vector<16xi32> to vector<16x1xi32>
    %gather3A_54 = vector.shape_cast %broadcast_in_dim3A_53 : vector<16x1xi32> to vector<16xi32>
    %gather3A_55 = tpu.dynamic_gather %get3A_49[%gather3A_54] in [0] : vector<16xi32>, vector<16xi32> -> vector<16xi32>
    %select_n3A_56 = arith.select %lt3A_20, %gather3A_52, %gather3A_55 : vector<16xi1>, vector<16xi32>
    %swap3A_57 = arith.constant 16 : index
    %swap3A_58 = tpu.vector_load %arg8[%swap3A_57] {strides = array<i32>} : memref<512xi32, #tpu.memory_space<vmem>>, vector<16xi32>,
    %swap3A_59 = vector.shape_cast %swap3A_58 : vector<16xi32> to vector<16xi32>
    %swap3A_60 = vector.shape_cast %select_n3A_56 : vector<16xi32> to vector<16xi32>
    tpu.vector_store %arg8[%swap3A_57], %swap3A_60 {strides = array<i32>} : memref<512xi32, #tpu.memory_space<vmem>>, vector<16xi32>,
    %broadcast_in_dim3A_61 = vector.shape_cast %and3A_18 : vector<16xi32> to vector<16x1xi32>
    %gather3A_62 = vector.shape_cast %broadcast_in_dim3A_61 : vector<16x1xi32> to vector<16xi32>
    %gather3A_63 = tpu.dynamic_gather %get3A_46[%gather3A_62] in [0] : vector<16xi32>, vector<16xi32> -> vector<16xi32>
    %broadcast_in_dim3A_64 = vector.shape_cast %and3A_18 : vector<16xi32> to vector<16x1xi32>
    %gather3A_65 = vector.shape_cast %broadcast_in_dim3A_64 : vector<16x1xi32> to vector<16xi32>
    %gather3A_66 = tpu.dynamic_gather %get3A_49[%gather3A_65] in [0] : vector<16xi32>, vector<16xi32> -> vector<16xi32>
    %select_n3A_67 = arith.select %lt3A_20, %gather3A_63, %gather3A_66 : vector<16xi1>, vector<16xi32>
    %swap3A_68 = arith.constant 16 : index
    %swap3A_69 = tpu.vector_load %arg9[%swap3A_68] {strides = array<i32>} : memref<512xi32, #tpu.memory_space<vmem>>, vector<16xi32>,
    %swap3A_70 = vector.shape_cast %swap3A_69 : vector<16xi32> to vector<16xi32>
    %swap3A_71 = vector.shape_cast %select_n3A_67 : vector<16xi32> to vector<16xi32>
    tpu.vector_store %arg9[%swap3A_68], %swap3A_71 {strides = array<i32>} : memref<512xi32, #tpu.memory_space<vmem>>, vector<16xi32>,
    %get3A_72 = arith.constant 64 : index
    %get3A_73 = tpu.vector_load %arg7[%get3A_72] {strides = array<i32>} : memref<1024xi32, #tpu.memory_space<vmem>>, vector<16xi32>,
    %get3A_74 = vector.shape_cast %get3A_73 : vector<16xi32> to vector<16xi32>
    %get3A_75 = arith.constant 80 : index
    %get3A_76 = tpu.vector_load %arg7[%get3A_75] {strides = array<i32>} : memref<1024xi32, #tpu.memory_space<vmem>>, vector<16xi32>,
    %get3A_77 = vector.shape_cast %get3A_76 : vector<16xi32> to vector<16xi32>
    %broadcast_in_dim3A_78 = vector.shape_cast %and3A_9 : vector<16xi32> to vector<16x1xi32>
    %gather3A_79 = vector.shape_cast %broadcast_in_dim3A_78 : vector<16x1xi32> to vector<16xi32>
    %gather3A_80 = tpu.dynamic_gather %get3A_74[%gather3A_79] in [0] : vector<16xi32>, vector<16xi32> -> vector<16xi32>
    %broadcast_in_dim3A_81 = vector.shape_cast %and3A_9 : vector<16xi32> to vector<16x1xi32>
    %gather3A_82 = vector.shape_cast %broadcast_in_dim3A_81 : vector<16x1xi32> to vector<16xi32>
    %gather3A_83 = tpu.dynamic_gather %get3A_77[%gather3A_82] in [0] : vector<16xi32>, vector<16xi32> -> vector<16xi32>
    %select_n3A_84 = arith.select %lt3A_20, %gather3A_80, %gather3A_83 : vector<16xi1>, vector<16xi32>
    %swap3A_85 = arith.constant 32 : index
    %swap3A_86 = tpu.vector_load %arg8[%swap3A_85] {strides = array<i32>} : memref<512xi32, #tpu.memory_space<vmem>>, vector<16xi32>,
    %swap3A_87 = vector.shape_cast %swap3A_86 : vector<16xi32> to vector<16xi32>
    %swap3A_88 = vector.shape_cast %select_n3A_84 : vector<16xi32> to vector<16xi32>
    tpu.vector_store %arg8[%swap3A_85], %swap3A_88 {strides = array<i32>} : memref<512xi32, #tpu.memory_space<vmem>>, vector<16xi32>,
    %broadcast_in_dim3A_89 = vector.shape_cast %and3A_18 : vector<16xi32> to vector<16x1xi32>
    %gather3A_90 = vector.shape_cast %broadcast_in_dim3A_89 : vector<16x1xi32> to vector<16xi32>
    %gather3A_91 = tpu.dynamic_gather %get3A_74[%gather3A_90] in [0] : vector<16xi32>, vector<16xi32> -> vector<16xi32>
    %broadcast_in_dim3A_92 = vector.shape_cast %and3A_18 : vector<16xi32> to vector<16x1xi32>
    %gather3A_93 = vector.shape_cast %broadcast_in_dim3A_92 : vector<16x1xi32> to vector<16xi32>
    %gather3A_94 = tpu.dynamic_gather %get3A_77[%gather3A_93] in [0] : vector<16xi32>, vector<16xi32> -> vector<16xi32>
    %select_n3A_95 = arith.select %lt3A_20, %gather3A_91, %gather3A_94 : vector<16xi1>, vector<16xi32>
    %swap3A_96 = arith.constant 32 : index
    %swap3A_97 = tpu.vector_load %arg9[%swap3A_96] {strides = array<i32>} : memref<512xi32, #tpu.memory_space<vmem>>, vector<16xi32>,
    %swap3A_98 = vector.shape_cast %swap3A_97 : vector<16xi32> to vector<16xi32>
    %swap3A_99 = vector.shape_cast %select_n3A_95 : vector<16xi32> to vector<16xi32>
    tpu.vector_store %arg9[%swap3A_96], %swap3A_99 {strides = array<i32>} : memref<512xi32, #tpu.memory_space<vmem>>, vector<16xi32>,
    %get3A_100 = arith.constant 96 : index
    %get3A_101 = tpu.vector_load %arg7[%get3A_100] {strides = array<i32>} : memref<1024xi32, #tpu.memory_space<vmem>>, vector<16xi32>,
    %get3A_102 = vector.shape_cast %get3A_101 : vector<16xi32> to vector<16xi32>
    %get3A_103 = arith.constant 112 : index
    %get3A_104 = tpu.vector_load %arg7[%get3A_103] {strides = array<i32>} : memref<1024xi32, #tpu.memory_space<vmem>>, vector<16xi32>,
    %get3A_105 = vector.shape_cast %get3A_104 : vector<16xi32> to vector<16xi32>
    %broadcast_in_dim3A_106 = vector.shape_cast %and3A_9 : vector<16xi32> to vector<16x1xi32>
    %gather3A_107 = vector.shape_cast %broadcast_in_dim3A_106 : vector<16x1xi32> to vector<16xi32>
    %gather3A_108 = tpu.dynamic_gather %get3A_102[%gather3A_107] in [0] : vector<16xi32>, vector<16xi32> -> vector<16xi32>
    %broadcast_in_dim3A_109 = vector.shape_cast %and3A_9 : vector<16xi32> to vector<16x1xi32>
    %gather3A_110 = vector.shape_cast %broadcast_in_dim3A_109 : vector<16x1xi32> to vector<16xi32>
    %gather3A_111 = tpu.dynamic_gather %get3A_105[%gather3A_110] in [0] : vector<16xi32>, vector<16xi32> -> vector<16xi32>
    %select_n3A_112 = arith.select %lt3A_20, %gather3A_108, %gather3A_111 : vector<16xi1>, vector<16xi32>
    %swap3A_113 = arith.constant 48 : index
    %swap3A_114 = tpu.vector_load %arg8[%swap3A_113] {strides = array<i32>} : memref<512xi32, #tpu.memory_space<vmem>>, vector<16xi32>,
    %swap3A_115 = vector.shape_cast %swap3A_114 : vector<16xi32> to vector<16xi32>
    %swap3A_116 = vector.shape_cast %select_n3A_112 : vector<16xi32> to vector<16xi32>
    tpu.vector_store %arg8[%swap3A_113], %swap3A_116 {strides = array<i32>} : memref<512xi32, #tpu.memory_space<vmem>>, vector<16xi32>,
    %broadcast_in_dim3A_117 = vector.shape_cast %and3A_18 : vector<16xi32> to vector<16x1xi32>
    %gather3A_118 = vector.shape_cast %broadcast_in_dim3A_117 : vector<16x1xi32> to vector<16xi32>
    %gather3A_119 = tpu.dynamic_gather %get3A_102[%gather3A_118] in [0] : vector<16xi32>, vector<16xi32> -> vector<16xi32>
    %broadcast_in_dim3A_120 = vector.shape_cast %and3A_18 : vector<16xi32> to vector<16x1xi32>
    %gather3A_121 = vector.shape_cast %broadcast_in_dim3A_120 : vector<16x1xi32> to vector<16xi32>
    %gather3A_122 = tpu.dynamic_gather %get3A_105[%gather3A_121] in [0] : vector<16xi32>, vector<16xi32> -> vector<16xi32>
    %select_n3A_123 = arith.select %lt3A_20, %gather3A_119, %gather3A_122 : vector<16xi1>, vector<16xi32>
    %swap3A_124 = arith.constant 48 : index
    %swap3A_125 = tpu.vector_load %arg9[%swap3A_124] {strides = array<i32>} : memref<512xi32, #tpu.memory_space<vmem>>, vector<16xi32>,
    %swap3A_126 = vector.shape_cast %swap3A_125 : vector<16xi32> to vector<16xi32>
    %swap3A_127 = vector.shape_cast %select_n3A_123 : vector<16xi32> to vector<16xi32>
    tpu.vector_store %arg9[%swap3A_124], %swap3A_127 {strides = array<i32>} : memref<512xi32, #tpu.memory_space<vmem>>, vector<16xi32>,
    %get3A_128 = arith.constant 128 : index
    %get3A_129 = tpu.vector_load %arg7[%get3A_128] {strides = array<i32>} : memref<1024xi32, #tpu.memory_space<vmem>>, vector<16xi32>,
    %get3A_130 = vector.shape_cast %get3A_129 : vector<16xi32> to vector<16xi32>
    %get3A_131 = arith.constant 144 : index
    %get3A_132 = tpu.vector_load %arg7[%get3A_131] {strides = array<i32>} : memref<1024xi32, #tpu.memory_space<vmem>>, vector<16xi32>,
    %get3A_133 = vector.shape_cast %get3A_132 : vector<16xi32> to vector<16xi32>
    %broadcast_in_dim3A_134 = vector.shape_cast %and3A_9 : vector<16xi32> to vector<16x1xi32>
    %gather3A_135 = vector.shape_cast %broadcast_in_dim3A_134 : vector<16x1xi32> to vector<16xi32>
    %gather3A_136 = tpu.dynamic_gather %get3A_130[%gather3A_135] in [0] : vector<16xi32>, vector<16xi32> -> vector<16xi32>
    %broadcast_in_dim3A_137 = vector.shape_cast %and3A_9 : vector<16xi32> to vector<16x1xi32>
    %gather3A_138 = vector.shape_cast %broadcast_in_dim3A_137 : vector<16x1xi32> to vector<16xi32>
    %gather3A_139 = tpu.dynamic_gather %get3A_133[%gather3A_138] in [0] : vector<16xi32>, vector<16xi32> -> vector<16xi32>
    %select_n3A_140 = arith.select %lt3A_20, %gather3A_136, %gather3A_139 : vector<16xi1>, vector<16xi32>
    %swap3A_141 = arith.constant 64 : index
    %swap3A_142 = tpu.vector_load %arg8[%swap3A_141] {strides = array<i32>} : memref<512xi32, #tpu.memory_space<vmem>>, vector<16xi32>,
    %swap3A_143 = vector.shape_cast %swap3A_142 : vector<16xi32> to vector<16xi32>
    %swap3A_144 = vector.shape_cast %select_n3A_140 : vector<16xi32> to vector<16xi32>
    tpu.vector_store %arg8[%swap3A_141], %swap3A_144 {strides = array<i32>} : memref<512xi32, #tpu.memory_space<vmem>>, vector<16xi32>,
    %broadcast_in_dim3A_145 = vector.shape_cast %and3A_18 : vector<16xi32> to vector<16x1xi32>
    %gather3A_146 = vector.shape_cast %broadcast_in_dim3A_145 : vector<16x1xi32> to vector<16xi32>
    %gather3A_147 = tpu.dynamic_gather %get3A_130[%gather3A_146] in [0] : vector<16xi32>, vector<16xi32> -> vector<16xi32>
    %broadcast_in_dim3A_148 = vector.shape_cast %and3A_18 : vector<16xi32> to vector<16x1xi32>
    %gather3A_149 = vector.shape_cast %broadcast_in_dim3A_148 : vector<16x1xi32> to vector<16xi32>
    %gather3A_150 = tpu.dynamic_gather %get3A_133[%gather3A_149] in [0] : vector<16xi32>, vector<16xi32> -> vector<16xi32>
    %select_n3A_151 = arith.select %lt3A_20, %gather3A_147, %gather3A_150 : vector<16xi1>, vector<16xi32>
    %swap3A_152 = arith.constant 64 : index
    %swap3A_153 = tpu.vector_load %arg9[%swap3A_152] {strides = array<i32>} : memref<512xi32, #tpu.memory_space<vmem>>, vector<16xi32>,
    %swap3A_154 = vector.shape_cast %swap3A_153 : vector<16xi32> to vector<16xi32>
    %swap3A_155 = vector.shape_cast %select_n3A_151 : vector<16xi32> to vector<16xi32>
    tpu.vector_store %arg9[%swap3A_152], %swap3A_155 {strides = array<i32>} : memref<512xi32, #tpu.memory_space<vmem>>, vector<16xi32>,
    %get3A_156 = arith.constant 160 : index
    %get3A_157 = tpu.vector_load %arg7[%get3A_156] {strides = array<i32>} : memref<1024xi32, #tpu.memory_space<vmem>>, vector<16xi32>,
    %get3A_158 = vector.shape_cast %get3A_157 : vector<16xi32> to vector<16xi32>
    %get3A_159 = arith.constant 176 : index
    %get3A_160 = tpu.vector_load %arg7[%get3A_159] {strides = array<i32>} : memref<1024xi32, #tpu.memory_space<vmem>>, vector<16xi32>,
    %get3A_161 = vector.shape_cast %get3A_160 : vector<16xi32> to vector<16xi32>
    %broadcast_in_dim3A_162 = vector.shape_cast %and3A_9 : vector<16xi32> to vector<16x1xi32>
    %gather3A_163 = vector.shape_cast %broadcast_in_dim3A_162 : vector<16x1xi32> to vector<16xi32>
    %gather3A_164 = tpu.dynamic_gather %get3A_158[%gather3A_163] in [0] : vector<16xi32>, vector<16xi32> -> vector<16xi32>
    %broadcast_in_dim3A_165 = vector.shape_cast %and3A_9 : vector<16xi32> to vector<16x1xi32>
    %gather3A_166 = vector.shape_cast %broadcast_in_dim3A_165 : vector<16x1xi32> to vector<16xi32>
    %gather3A_167 = tpu.dynamic_gather %get3A_161[%gather3A_166] in [0] : vector<16xi32>, vector<16xi32> -> vector<16xi32>
    %select_n3A_168 = arith.select %lt3A_20, %gather3A_164, %gather3A_167 : vector<16xi1>, vector<16xi32>
    %swap3A_169 = arith.constant 80 : index
    %swap3A_170 = tpu.vector_load %arg8[%swap3A_169] {strides = array<i32>} : memref<512xi32, #tpu.memory_space<vmem>>, vector<16xi32>,
    %swap3A_171 = vector.shape_cast %swap3A_170 : vector<16xi32> to vector<16xi32>
    %swap3A_172 = vector.shape_cast %select_n3A_168 : vector<16xi32> to vector<16xi32>
    tpu.vector_store %arg8[%swap3A_169], %swap3A_172 {strides = array<i32>} : memref<512xi32, #tpu.memory_space<vmem>>, vector<16xi32>,
    %broadcast_in_dim3A_173 = vector.shape_cast %and3A_18 : vector<16xi32> to vector<16x1xi32>
    %gather3A_174 = vector.shape_cast %broadcast_in_dim3A_173 : vector<16x1xi32> to vector<16xi32>
    %gather3A_175 = tpu.dynamic_gather %get3A_158[%gather3A_174] in [0] : vector<16xi32>, vector<16xi32> -> vector<16xi32>
    %broadcast_in_dim3A_176 = vector.shape_cast %and3A_18 : vector<16xi32> to vector<16x1xi32>
    %gather3A_177 = vector.shape_cast %broadcast_in_dim3A_176 : vector<16x1xi32> to vector<16xi32>
    %gather3A_178 = tpu.dynamic_gather %get3A_161[%gather3A_177] in [0] : vector<16xi32>, vector<16xi32> -> vector<16xi32>
    %select_n3A_179 = arith.select %lt3A_20, %gather3A_175, %gather3A_178 : vector<16xi1>, vector<16xi32>
    %swap3A_180 = arith.constant 80 : index
    %swap3A_181 = tpu.vector_load %arg9[%swap3A_180] {strides = array<i32>} : memref<512xi32, #tpu.memory_space<vmem>>, vector<16xi32>,
    %swap3A_182 = vector.shape_cast %swap3A_181 : vector<16xi32> to vector<16xi32>
    %swap3A_183 = vector.shape_cast %select_n3A_179 : vector<16xi32> to vector<16xi32>
    tpu.vector_store %arg9[%swap3A_180], %swap3A_183 {strides = array<i32>} : memref<512xi32, #tpu.memory_space<vmem>>, vector<16xi32>,
    %get3A_184 = arith.constant 192 : index
    %get3A_185 = tpu.vector_load %arg7[%get3A_184] {strides = array<i32>} : memref<1024xi32, #tpu.memory_space<vmem>>, vector<16xi32>,
    %get3A_186 = vector.shape_cast %get3A_185 : vector<16xi32> to vector<16xi32>
    %get3A_187 = arith.constant 208 : index
    %get3A_188 = tpu.vector_load %arg7[%get3A_187] {strides = array<i32>} : memref<1024xi32, #tpu.memory_space<vmem>>, vector<16xi32>,
    %get3A_189 = vector.shape_cast %get3A_188 : vector<16xi32> to vector<16xi32>
    %broadcast_in_dim3A_190 = vector.shape_cast %and3A_9 : vector<16xi32> to vector<16x1xi32>
    %gather3A_191 = vector.shape_cast %broadcast_in_dim3A_190 : vector<16x1xi32> to vector<16xi32>
    %gather3A_192 = tpu.dynamic_gather %get3A_186[%gather3A_191] in [0] : vector<16xi32>, vector<16xi32> -> vector<16xi32>
    %broadcast_in_dim3A_193 = vector.shape_cast %and3A_9 : vector<16xi32> to vector<16x1xi32>
    %gather3A_194 = vector.shape_cast %broadcast_in_dim3A_193 : vector<16x1xi32> to vector<16xi32>
    %gather3A_195 = tpu.dynamic_gather %get3A_189[%gather3A_194] in [0] : vector<16xi32>, vector<16xi32> -> vector<16xi32>
    %select_n3A_196 = arith.select %lt3A_20, %gather3A_192, %gather3A_195 : vector<16xi1>, vector<16xi32>
    %swap3A_197 = arith.constant 96 : index
    %swap3A_198 = tpu.vector_load %arg8[%swap3A_197] {strides = array<i32>} : memref<512xi32, #tpu.memory_space<vmem>>, vector<16xi32>,
    %swap3A_199 = vector.shape_cast %swap3A_198 : vector<16xi32> to vector<16xi32>
    %swap3A_200 = vector.shape_cast %select_n3A_196 : vector<16xi32> to vector<16xi32>
    tpu.vector_store %arg8[%swap3A_197], %swap3A_200 {strides = array<i32>} : memref<512xi32, #tpu.memory_space<vmem>>, vector<16xi32>,
    %broadcast_in_dim3A_201 = vector.shape_cast %and3A_18 : vector<16xi32> to vector<16x1xi32>
    %gather3A_202 = vector.shape_cast %broadcast_in_dim3A_201 : vector<16x1xi32> to vector<16xi32>
    %gather3A_203 = tpu.dynamic_gather %get3A_186[%gather3A_202] in [0] : vector<16xi32>, vector<16xi32> -> vector<16xi32>
    %broadcast_in_dim3A_204 = vector.shape_cast %and3A_18 : vector<16xi32> to vector<16x1xi32>
    %gather3A_205 = vector.shape_cast %broadcast_in_dim3A_204 : vector<16x1xi32> to vector<16xi32>
    %gather3A_206 = tpu.dynamic_gather %get3A_189[%gather3A_205] in [0] : vector<16xi32>, vector<16xi32> -> vector<16xi32>
    %select_n3A_207 = arith.select %lt3A_20, %gather3A_203, %gather3A_206 : vector<16xi1>, vector<16xi32>
    %swap3A_208 = arith.constant 96 : index
    %swap3A_209 = tpu.vector_load %arg9[%swap3A_208] {strides = array<i32>} : memref<512xi32, #tpu.memory_space<vmem>>, vector<16xi32>,
    %swap3A_210 = vector.shape_cast %swap3A_209 : vector<16xi32> to vector<16xi32>
    %swap3A_211 = vector.shape_cast %select_n3A_207 : vector<16xi32> to vector<16xi32>
    tpu.vector_store %arg9[%swap3A_208], %swap3A_211 {strides = array<i32>} : memref<512xi32, #tpu.memory_space<vmem>>, vector<16xi32>,
    %get3A_212 = arith.constant 224 : index
    %get3A_213 = tpu.vector_load %arg7[%get3A_212] {strides = array<i32>} : memref<1024xi32, #tpu.memory_space<vmem>>, vector<16xi32>,
    %get3A_214 = vector.shape_cast %get3A_213 : vector<16xi32> to vector<16xi32>
    %get3A_215 = arith.constant 240 : index
    %get3A_216 = tpu.vector_load %arg7[%get3A_215] {strides = array<i32>} : memref<1024xi32, #tpu.memory_space<vmem>>, vector<16xi32>,
    %get3A_217 = vector.shape_cast %get3A_216 : vector<16xi32> to vector<16xi32>
    %broadcast_in_dim3A_218 = vector.shape_cast %and3A_9 : vector<16xi32> to vector<16x1xi32>
    %gather3A_219 = vector.shape_cast %broadcast_in_dim3A_218 : vector<16x1xi32> to vector<16xi32>
    %gather3A_220 = tpu.dynamic_gather %get3A_214[%gather3A_219] in [0] : vector<16xi32>, vector<16xi32> -> vector<16xi32>
    %broadcast_in_dim3A_221 = vector.shape_cast %and3A_9 : vector<16xi32> to vector<16x1xi32>
    %gather3A_222 = vector.shape_cast %broadcast_in_dim3A_221 : vector<16x1xi32> to vector<16xi32>
    %gather3A_223 = tpu.dynamic_gather %get3A_217[%gather3A_222] in [0] : vector<16xi32>, vector<16xi32> -> vector<16xi32>
    %select_n3A_224 = arith.select %lt3A_20, %gather3A_220, %gather3A_223 : vector<16xi1>, vector<16xi32>
    %swap3A_225 = arith.constant 112 : index
    %swap3A_226 = tpu.vector_load %arg8[%swap3A_225] {strides = array<i32>} : memref<512xi32, #tpu.memory_space<vmem>>, vector<16xi32>,
    %swap3A_227 = vector.shape_cast %swap3A_226 : vector<16xi32> to vector<16xi32>
    %swap3A_228 = vector.shape_cast %select_n3A_224 : vector<16xi32> to vector<16xi32>
    tpu.vector_store %arg8[%swap3A_225], %swap3A_228 {strides = array<i32>} : memref<512xi32, #tpu.memory_space<vmem>>, vector<16xi32>,
    %broadcast_in_dim3A_229 = vector.shape_cast %and3A_18 : vector<16xi32> to vector<16x1xi32>
    %gather3A_230 = vector.shape_cast %broadcast_in_dim3A_229 : vector<16x1xi32> to vector<16xi32>
    %gather3A_231 = tpu.dynamic_gather %get3A_214[%gather3A_230] in [0] : vector<16xi32>, vector<16xi32> -> vector<16xi32>
    %broadcast_in_dim3A_232 = vector.shape_cast %and3A_18 : vector<16xi32> to vector<16x1xi32>
    %gather3A_233 = vector.shape_cast %broadcast_in_dim3A_232 : vector<16x1xi32> to vector<16xi32>
    %gather3A_234 = tpu.dynamic_gather %get3A_217[%gather3A_233] in [0] : vector<16xi32>, vector<16xi32> -> vector<16xi32>
    %select_n3A_235 = arith.select %lt3A_20, %gather3A_231, %gather3A_234 : vector<16xi1>, vector<16xi32>
    %swap3A_236 = arith.constant 112 : index
    %swap3A_237 = tpu.vector_load %arg9[%swap3A_236] {strides = array<i32>} : memref<512xi32, #tpu.memory_space<vmem>>, vector<16xi32>,
    %swap3A_238 = vector.shape_cast %swap3A_237 : vector<16xi32> to vector<16xi32>
    %swap3A_239 = vector.shape_cast %select_n3A_235 : vector<16xi32> to vector<16xi32>
    tpu.vector_store %arg9[%swap3A_236], %swap3A_239 {strides = array<i32>} : memref<512xi32, #tpu.memory_space<vmem>>, vector<16xi32>,
    %get3A_240 = arith.constant 256 : index
    %get3A_241 = tpu.vector_load %arg7[%get3A_240] {strides = array<i32>} : memref<1024xi32, #tpu.memory_space<vmem>>, vector<16xi32>,
    %get3A_242 = vector.shape_cast %get3A_241 : vector<16xi32> to vector<16xi32>
    %get3A_243 = arith.constant 272 : index
    %get3A_244 = tpu.vector_load %arg7[%get3A_243] {strides = array<i32>} : memref<1024xi32, #tpu.memory_space<vmem>>, vector<16xi32>,
    %get3A_245 = vector.shape_cast %get3A_244 : vector<16xi32> to vector<16xi32>
    %broadcast_in_dim3A_246 = vector.shape_cast %and3A_9 : vector<16xi32> to vector<16x1xi32>
    %gather3A_247 = vector.shape_cast %broadcast_in_dim3A_246 : vector<16x1xi32> to vector<16xi32>
    %gather3A_248 = tpu.dynamic_gather %get3A_242[%gather3A_247] in [0] : vector<16xi32>, vector<16xi32> -> vector<16xi32>
    %broadcast_in_dim3A_249 = vector.shape_cast %and3A_9 : vector<16xi32> to vector<16x1xi32>
    %gather3A_250 = vector.shape_cast %broadcast_in_dim3A_249 : vector<16x1xi32> to vector<16xi32>
    %gather3A_251 = tpu.dynamic_gather %get3A_245[%gather3A_250] in [0] : vector<16xi32>, vector<16xi32> -> vector<16xi32>
    %select_n3A_252 = arith.select %lt3A_20, %gather3A_248, %gather3A_251 : vector<16xi1>, vector<16xi32>
    %swap3A_253 = arith.constant 128 : index
    %swap3A_254 = tpu.vector_load %arg8[%swap3A_253] {strides = array<i32>} : memref<512xi32, #tpu.memory_space<vmem>>, vector<16xi32>,
    %swap3A_255 = vector.shape_cast %swap3A_254 : vector<16xi32> to vector<16xi32>
    %swap3A_256 = vector.shape_cast %select_n3A_252 : vector<16xi32> to vector<16xi32>
    tpu.vector_store %arg8[%swap3A_253], %swap3A_256 {strides = array<i32>} : memref<512xi32, #tpu.memory_space<vmem>>, vector<16xi32>,
    %broadcast_in_dim3A_257 = vector.shape_cast %and3A_18 : vector<16xi32> to vector<16x1xi32>
    %gather3A_258 = vector.shape_cast %broadcast_in_dim3A_257 : vector<16x1xi32> to vector<16xi32>
    %gather3A_259 = tpu.dynamic_gather %get3A_242[%gather3A_258] in [0] : vector<16xi32>, vector<16xi32> -> vector<16xi32>
    %broadcast_in_dim3A_260 = vector.shape_cast %and3A_18 : vector<16xi32> to vector<16x1xi32>
    %gather3A_261 = vector.shape_cast %broadcast_in_dim3A_260 : vector<16x1xi32> to vector<16xi32>
    %gather3A_262 = tpu.dynamic_gather %get3A_245[%gather3A_261] in [0] : vector<16xi32>, vector<16xi32> -> vector<16xi32>
    %select_n3A_263 = arith.select %lt3A_20, %gather3A_259, %gather3A_262 : vector<16xi1>, vector<16xi32>
    %swap3A_264 = arith.constant 128 : index
    %swap3A_265 = tpu.vector_load %arg9[%swap3A_264] {strides = array<i32>} : memref<512xi32, #tpu.memory_space<vmem>>, vector<16xi32>,
    %swap3A_266 = vector.shape_cast %swap3A_265 : vector<16xi32> to vector<16xi32>
    %swap3A_267 = vector.shape_cast %select_n3A_263 : vector<16xi32> to vector<16xi32>
    tpu.vector_store %arg9[%swap3A_264], %swap3A_267 {strides = array<i32>} : memref<512xi32, #tpu.memory_space<vmem>>, vector<16xi32>,
    %get3A_268 = arith.constant 288 : index
    %get3A_269 = tpu.vector_load %arg7[%get3A_268] {strides = array<i32>} : memref<1024xi32, #tpu.memory_space<vmem>>, vector<16xi32>,
    %get3A_270 = vector.shape_cast %get3A_269 : vector<16xi32> to vector<16xi32>
    %get3A_271 = arith.constant 304 : index
    %get3A_272 = tpu.vector_load %arg7[%get3A_271] {strides = array<i32>} : memref<1024xi32, #tpu.memory_space<vmem>>, vector<16xi32>,
    %get3A_273 = vector.shape_cast %get3A_272 : vector<16xi32> to vector<16xi32>
    %broadcast_in_dim3A_274 = vector.shape_cast %and3A_9 : vector<16xi32> to vector<16x1xi32>
    %gather3A_275 = vector.shape_cast %broadcast_in_dim3A_274 : vector<16x1xi32> to vector<16xi32>
    %gather3A_276 = tpu.dynamic_gather %get3A_270[%gather3A_275] in [0] : vector<16xi32>, vector<16xi32> -> vector<16xi32>
    %broadcast_in_dim3A_277 = vector.shape_cast %and3A_9 : vector<16xi32> to vector<16x1xi32>
    %gather3A_278 = vector.shape_cast %broadcast_in_dim3A_277 : vector<16x1xi32> to vector<16xi32>
    %gather3A_279 = tpu.dynamic_gather %get3A_273[%gather3A_278] in [0] : vector<16xi32>, vector<16xi32> -> vector<16xi32>
    %select_n3A_280 = arith.select %lt3A_20, %gather3A_276, %gather3A_279 : vector<16xi1>, vector<16xi32>
    %swap3A_281 = arith.constant 144 : index
    %swap3A_282 = tpu.vector_load %arg8[%swap3A_281] {strides = array<i32>} : memref<512xi32, #tpu.memory_space<vmem>>, vector<16xi32>,
    %swap3A_283 = vector.shape_cast %swap3A_282 : vector<16xi32> to vector<16xi32>
    %swap3A_284 = vector.shape_cast %select_n3A_280 : vector<16xi32> to vector<16xi32>
    tpu.vector_store %arg8[%swap3A_281], %swap3A_284 {strides = array<i32>} : memref<512xi32, #tpu.memory_space<vmem>>, vector<16xi32>,
    %broadcast_in_dim3A_285 = vector.shape_cast %and3A_18 : vector<16xi32> to vector<16x1xi32>
    %gather3A_286 = vector.shape_cast %broadcast_in_dim3A_285 : vector<16x1xi32> to vector<16xi32>
    %gather3A_287 = tpu.dynamic_gather %get3A_270[%gather3A_286] in [0] : vector<16xi32>, vector<16xi32> -> vector<16xi32>
    %broadcast_in_dim3A_288 = vector.shape_cast %and3A_18 : vector<16xi32> to vector<16x1xi32>
    %gather3A_289 = vector.shape_cast %broadcast_in_dim3A_288 : vector<16x1xi32> to vector<16xi32>
    %gather3A_290 = tpu.dynamic_gather %get3A_273[%gather3A_289] in [0] : vector<16xi32>, vector<16xi32> -> vector<16xi32>
    %select_n3A_291 = arith.select %lt3A_20, %gather3A_287, %gather3A_290 : vector<16xi1>, vector<16xi32>
    %swap3A_292 = arith.constant 144 : index
    %swap3A_293 = tpu.vector_load %arg9[%swap3A_292] {strides = array<i32>} : memref<512xi32, #tpu.memory_space<vmem>>, vector<16xi32>,
    %swap3A_294 = vector.shape_cast %swap3A_293 : vector<16xi32> to vector<16xi32>
    %swap3A_295 = vector.shape_cast %select_n3A_291 : vector<16xi32> to vector<16xi32>
    tpu.vector_store %arg9[%swap3A_292], %swap3A_295 {strides = array<i32>} : memref<512xi32, #tpu.memory_space<vmem>>, vector<16xi32>,
    %get3A_296 = arith.constant 320 : index
    %get3A_297 = tpu.vector_load %arg7[%get3A_296] {strides = array<i32>} : memref<1024xi32, #tpu.memory_space<vmem>>, vector<16xi32>,
    %get3A_298 = vector.shape_cast %get3A_297 : vector<16xi32> to vector<16xi32>
    %get3A_299 = arith.constant 336 : index
    %get3A_300 = tpu.vector_load %arg7[%get3A_299] {strides = array<i32>} : memref<1024xi32, #tpu.memory_space<vmem>>, vector<16xi32>,
    %get3A_301 = vector.shape_cast %get3A_300 : vector<16xi32> to vector<16xi32>
    %broadcast_in_dim3A_302 = vector.shape_cast %and3A_9 : vector<16xi32> to vector<16x1xi32>
    %gather3A_303 = vector.shape_cast %broadcast_in_dim3A_302 : vector<16x1xi32> to vector<16xi32>
    %gather3A_304 = tpu.dynamic_gather %get3A_298[%gather3A_303] in [0] : vector<16xi32>, vector<16xi32> -> vector<16xi32>
    %broadcast_in_dim3A_305 = vector.shape_cast %and3A_9 : vector<16xi32> to vector<16x1xi32>
    %gather3A_306 = vector.shape_cast %broadcast_in_dim3A_305 : vector<16x1xi32> to vector<16xi32>
    %gather3A_307 = tpu.dynamic_gather %get3A_301[%gather3A_306] in [0] : vector<16xi32>, vector<16xi32> -> vector<16xi32>
    %select_n3A_308 = arith.select %lt3A_20, %gather3A_304, %gather3A_307 : vector<16xi1>, vector<16xi32>
    %swap3A_309 = arith.constant 160 : index
    %swap3A_310 = tpu.vector_load %arg8[%swap3A_309] {strides = array<i32>} : memref<512xi32, #tpu.memory_space<vmem>>, vector<16xi32>,
    %swap3A_311 = vector.shape_cast %swap3A_310 : vector<16xi32> to vector<16xi32>
    %swap3A_312 = vector.shape_cast %select_n3A_308 : vector<16xi32> to vector<16xi32>
    tpu.vector_store %arg8[%swap3A_309], %swap3A_312 {strides = array<i32>} : memref<512xi32, #tpu.memory_space<vmem>>, vector<16xi32>,
    %broadcast_in_dim3A_313 = vector.shape_cast %and3A_18 : vector<16xi32> to vector<16x1xi32>
    %gather3A_314 = vector.shape_cast %broadcast_in_dim3A_313 : vector<16x1xi32> to vector<16xi32>
    %gather3A_315 = tpu.dynamic_gather %get3A_298[%gather3A_314] in [0] : vector<16xi32>, vector<16xi32> -> vector<16xi32>
    %broadcast_in_dim3A_316 = vector.shape_cast %and3A_18 : vector<16xi32> to vector<16x1xi32>
    %gather3A_317 = vector.shape_cast %broadcast_in_dim3A_316 : vector<16x1xi32> to vector<16xi32>
    %gather3A_318 = tpu.dynamic_gather %get3A_301[%gather3A_317] in [0] : vector<16xi32>, vector<16xi32> -> vector<16xi32>
    %select_n3A_319 = arith.select %lt3A_20, %gather3A_315, %gather3A_318 : vector<16xi1>, vector<16xi32>
    %swap3A_320 = arith.constant 160 : index
    %swap3A_321 = tpu.vector_load %arg9[%swap3A_320] {strides = array<i32>} : memref<512xi32, #tpu.memory_space<vmem>>, vector<16xi32>,
    %swap3A_322 = vector.shape_cast %swap3A_321 : vector<16xi32> to vector<16xi32>
    %swap3A_323 = vector.shape_cast %select_n3A_319 : vector<16xi32> to vector<16xi32>
    tpu.vector_store %arg9[%swap3A_320], %swap3A_323 {strides = array<i32>} : memref<512xi32, #tpu.memory_space<vmem>>, vector<16xi32>,
    %get3A_324 = arith.constant 352 : index
    %get3A_325 = tpu.vector_load %arg7[%get3A_324] {strides = array<i32>} : memref<1024xi32, #tpu.memory_space<vmem>>, vector<16xi32>,
    %get3A_326 = vector.shape_cast %get3A_325 : vector<16xi32> to vector<16xi32>
    %get3A_327 = arith.constant 368 : index
    %get3A_328 = tpu.vector_load %arg7[%get3A_327] {strides = array<i32>} : memref<1024xi32, #tpu.memory_space<vmem>>, vector<16xi32>,
    %get3A_329 = vector.shape_cast %get3A_328 : vector<16xi32> to vector<16xi32>
    %broadcast_in_dim3A_330 = vector.shape_cast %and3A_9 : vector<16xi32> to vector<16x1xi32>
    %gather3A_331 = vector.shape_cast %broadcast_in_dim3A_330 : vector<16x1xi32> to vector<16xi32>
    %gather3A_332 = tpu.dynamic_gather %get3A_326[%gather3A_331] in [0] : vector<16xi32>, vector<16xi32> -> vector<16xi32>
    %broadcast_in_dim3A_333 = vector.shape_cast %and3A_9 : vector<16xi32> to vector<16x1xi32>
    %gather3A_334 = vector.shape_cast %broadcast_in_dim3A_333 : vector<16x1xi32> to vector<16xi32>
    %gather3A_335 = tpu.dynamic_gather %get3A_329[%gather3A_334] in [0] : vector<16xi32>, vector<16xi32> -> vector<16xi32>
    %select_n3A_336 = arith.select %lt3A_20, %gather3A_332, %gather3A_335 : vector<16xi1>, vector<16xi32>
    %swap3A_337 = arith.constant 176 : index
    %swap3A_338 = tpu.vector_load %arg8[%swap3A_337] {strides = array<i32>} : memref<512xi32, #tpu.memory_space<vmem>>, vector<16xi32>,
    %swap3A_339 = vector.shape_cast %swap3A_338 : vector<16xi32> to vector<16xi32>
    %swap3A_340 = vector.shape_cast %select_n3A_336 : vector<16xi32> to vector<16xi32>
    tpu.vector_store %arg8[%swap3A_337], %swap3A_340 {strides = array<i32>} : memref<512xi32, #tpu.memory_space<vmem>>, vector<16xi32>,
    %broadcast_in_dim3A_341 = vector.shape_cast %and3A_18 : vector<16xi32> to vector<16x1xi32>
    %gather3A_342 = vector.shape_cast %broadcast_in_dim3A_341 : vector<16x1xi32> to vector<16xi32>
    %gather3A_343 = tpu.dynamic_gather %get3A_326[%gather3A_342] in [0] : vector<16xi32>, vector<16xi32> -> vector<16xi32>
    %broadcast_in_dim3A_344 = vector.shape_cast %and3A_18 : vector<16xi32> to vector<16x1xi32>
    %gather3A_345 = vector.shape_cast %broadcast_in_dim3A_344 : vector<16x1xi32> to vector<16xi32>
    %gather3A_346 = tpu.dynamic_gather %get3A_329[%gather3A_345] in [0] : vector<16xi32>, vector<16xi32> -> vector<16xi32>
    %select_n3A_347 = arith.select %lt3A_20, %gather3A_343, %gather3A_346 : vector<16xi1>, vector<16xi32>
    %swap3A_348 = arith.constant 176 : index
    %swap3A_349 = tpu.vector_load %arg9[%swap3A_348] {strides = array<i32>} : memref<512xi32, #tpu.memory_space<vmem>>, vector<16xi32>,
    %swap3A_350 = vector.shape_cast %swap3A_349 : vector<16xi32> to vector<16xi32>
    %swap3A_351 = vector.shape_cast %select_n3A_347 : vector<16xi32> to vector<16xi32>
    tpu.vector_store %arg9[%swap3A_348], %swap3A_351 {strides = array<i32>} : memref<512xi32, #tpu.memory_space<vmem>>, vector<16xi32>,
    %get3A_352 = arith.constant 384 : index
    %get3A_353 = tpu.vector_load %arg7[%get3A_352] {strides = array<i32>} : memref<1024xi32, #tpu.memory_space<vmem>>, vector<16xi32>,
    %get3A_354 = vector.shape_cast %get3A_353 : vector<16xi32> to vector<16xi32>
    %get3A_355 = arith.constant 400 : index
    %get3A_356 = tpu.vector_load %arg7[%get3A_355] {strides = array<i32>} : memref<1024xi32, #tpu.memory_space<vmem>>, vector<16xi32>,
    %get3A_357 = vector.shape_cast %get3A_356 : vector<16xi32> to vector<16xi32>
    %broadcast_in_dim3A_358 = vector.shape_cast %and3A_9 : vector<16xi32> to vector<16x1xi32>
    %gather3A_359 = vector.shape_cast %broadcast_in_dim3A_358 : vector<16x1xi32> to vector<16xi32>
    %gather3A_360 = tpu.dynamic_gather %get3A_354[%gather3A_359] in [0] : vector<16xi32>, vector<16xi32> -> vector<16xi32>
    %broadcast_in_dim3A_361 = vector.shape_cast %and3A_9 : vector<16xi32> to vector<16x1xi32>
    %gather3A_362 = vector.shape_cast %broadcast_in_dim3A_361 : vector<16x1xi32> to vector<16xi32>
    %gather3A_363 = tpu.dynamic_gather %get3A_357[%gather3A_362] in [0] : vector<16xi32>, vector<16xi32> -> vector<16xi32>
    %select_n3A_364 = arith.select %lt3A_20, %gather3A_360, %gather3A_363 : vector<16xi1>, vector<16xi32>
    %swap3A_365 = arith.constant 192 : index
    %swap3A_366 = tpu.vector_load %arg8[%swap3A_365] {strides = array<i32>} : memref<512xi32, #tpu.memory_space<vmem>>, vector<16xi32>,
    %swap3A_367 = vector.shape_cast %swap3A_366 : vector<16xi32> to vector<16xi32>
    %swap3A_368 = vector.shape_cast %select_n3A_364 : vector<16xi32> to vector<16xi32>
    tpu.vector_store %arg8[%swap3A_365], %swap3A_368 {strides = array<i32>} : memref<512xi32, #tpu.memory_space<vmem>>, vector<16xi32>,
    %broadcast_in_dim3A_369 = vector.shape_cast %and3A_18 : vector<16xi32> to vector<16x1xi32>
    %gather3A_370 = vector.shape_cast %broadcast_in_dim3A_369 : vector<16x1xi32> to vector<16xi32>
    %gather3A_371 = tpu.dynamic_gather %get3A_354[%gather3A_370] in [0] : vector<16xi32>, vector<16xi32> -> vector<16xi32>
    %broadcast_in_dim3A_372 = vector.shape_cast %and3A_18 : vector<16xi32> to vector<16x1xi32>
    %gather3A_373 = vector.shape_cast %broadcast_in_dim3A_372 : vector<16x1xi32> to vector<16xi32>
    %gather3A_374 = tpu.dynamic_gather %get3A_357[%gather3A_373] in [0] : vector<16xi32>, vector<16xi32> -> vector<16xi32>
    %select_n3A_375 = arith.select %lt3A_20, %gather3A_371, %gather3A_374 : vector<16xi1>, vector<16xi32>
    %swap3A_376 = arith.constant 192 : index
    %swap3A_377 = tpu.vector_load %arg9[%swap3A_376] {strides = array<i32>} : memref<512xi32, #tpu.memory_space<vmem>>, vector<16xi32>,
    %swap3A_378 = vector.shape_cast %swap3A_377 : vector<16xi32> to vector<16xi32>
    %swap3A_379 = vector.shape_cast %select_n3A_375 : vector<16xi32> to vector<16xi32>
    tpu.vector_store %arg9[%swap3A_376], %swap3A_379 {strides = array<i32>} : memref<512xi32, #tpu.memory_space<vmem>>, vector<16xi32>,
    %get3A_380 = arith.constant 416 : index
    %get3A_381 = tpu.vector_load %arg7[%get3A_380] {strides = array<i32>} : memref<1024xi32, #tpu.memory_space<vmem>>, vector<16xi32>,
    %get3A_382 = vector.shape_cast %get3A_381 : vector<16xi32> to vector<16xi32>
    %get3A_383 = arith.constant 432 : index
    %get3A_384 = tpu.vector_load %arg7[%get3A_383] {strides = array<i32>} : memref<1024xi32, #tpu.memory_space<vmem>>, vector<16xi32>,
    %get3A_385 = vector.shape_cast %get3A_384 : vector<16xi32> to vector<16xi32>
    %broadcast_in_dim3A_386 = vector.shape_cast %and3A_9 : vector<16xi32> to vector<16x1xi32>
    %gather3A_387 = vector.shape_cast %broadcast_in_dim3A_386 : vector<16x1xi32> to vector<16xi32>
    %gather3A_388 = tpu.dynamic_gather %get3A_382[%gather3A_387] in [0] : vector<16xi32>, vector<16xi32> -> vector<16xi32>
    %broadcast_in_dim3A_389 = vector.shape_cast %and3A_9 : vector<16xi32> to vector<16x1xi32>
    %gather3A_390 = vector.shape_cast %broadcast_in_dim3A_389 : vector<16x1xi32> to vector<16xi32>
    %gather3A_391 = tpu.dynamic_gather %get3A_385[%gather3A_390] in [0] : vector<16xi32>, vector<16xi32> -> vector<16xi32>
    %select_n3A_392 = arith.select %lt3A_20, %gather3A_388, %gather3A_391 : vector<16xi1>, vector<16xi32>
    %swap3A_393 = arith.constant 208 : index
    %swap3A_394 = tpu.vector_load %arg8[%swap3A_393] {strides = array<i32>} : memref<512xi32, #tpu.memory_space<vmem>>, vector<16xi32>,
    %swap3A_395 = vector.shape_cast %swap3A_394 : vector<16xi32> to vector<16xi32>
    %swap3A_396 = vector.shape_cast %select_n3A_392 : vector<16xi32> to vector<16xi32>
    tpu.vector_store %arg8[%swap3A_393], %swap3A_396 {strides = array<i32>} : memref<512xi32, #tpu.memory_space<vmem>>, vector<16xi32>,
    %broadcast_in_dim3A_397 = vector.shape_cast %and3A_18 : vector<16xi32> to vector<16x1xi32>
    %gather3A_398 = vector.shape_cast %broadcast_in_dim3A_397 : vector<16x1xi32> to vector<16xi32>
    %gather3A_399 = tpu.dynamic_gather %get3A_382[%gather3A_398] in [0] : vector<16xi32>, vector<16xi32> -> vector<16xi32>
    %broadcast_in_dim3A_400 = vector.shape_cast %and3A_18 : vector<16xi32> to vector<16x1xi32>
    %gather3A_401 = vector.shape_cast %broadcast_in_dim3A_400 : vector<16x1xi32> to vector<16xi32>
    %gather3A_402 = tpu.dynamic_gather %get3A_385[%gather3A_401] in [0] : vector<16xi32>, vector<16xi32> -> vector<16xi32>
    %select_n3A_403 = arith.select %lt3A_20, %gather3A_399, %gather3A_402 : vector<16xi1>, vector<16xi32>
    %swap3A_404 = arith.constant 208 : index
    %swap3A_405 = tpu.vector_load %arg9[%swap3A_404] {strides = array<i32>} : memref<512xi32, #tpu.memory_space<vmem>>, vector<16xi32>,
    %swap3A_406 = vector.shape_cast %swap3A_405 : vector<16xi32> to vector<16xi32>
    %swap3A_407 = vector.shape_cast %select_n3A_403 : vector<16xi32> to vector<16xi32>
    tpu.vector_store %arg9[%swap3A_404], %swap3A_407 {strides = array<i32>} : memref<512xi32, #tpu.memory_space<vmem>>, vector<16xi32>,
    %get3A_408 = arith.constant 448 : index
    %get3A_409 = tpu.vector_load %arg7[%get3A_408] {strides = array<i32>} : memref<1024xi32, #tpu.memory_space<vmem>>, vector<16xi32>,
    %get3A_410 = vector.shape_cast %get3A_409 : vector<16xi32> to vector<16xi32>
    %get3A_411 = arith.constant 464 : index
    %get3A_412 = tpu.vector_load %arg7[%get3A_411] {strides = array<i32>} : memref<1024xi32, #tpu.memory_space<vmem>>, vector<16xi32>,
    %get3A_413 = vector.shape_cast %get3A_412 : vector<16xi32> to vector<16xi32>
    %broadcast_in_dim3A_414 = vector.shape_cast %and3A_9 : vector<16xi32> to vector<16x1xi32>
    %gather3A_415 = vector.shape_cast %broadcast_in_dim3A_414 : vector<16x1xi32> to vector<16xi32>
    %gather3A_416 = tpu.dynamic_gather %get3A_410[%gather3A_415] in [0] : vector<16xi32>, vector<16xi32> -> vector<16xi32>
    %broadcast_in_dim3A_417 = vector.shape_cast %and3A_9 : vector<16xi32> to vector<16x1xi32>
    %gather3A_418 = vector.shape_cast %broadcast_in_dim3A_417 : vector<16x1xi32> to vector<16xi32>
    %gather3A_419 = tpu.dynamic_gather %get3A_413[%gather3A_418] in [0] : vector<16xi32>, vector<16xi32> -> vector<16xi32>
    %select_n3A_420 = arith.select %lt3A_20, %gather3A_416, %gather3A_419 : vector<16xi1>, vector<16xi32>
    %swap3A_421 = arith.constant 224 : index
    %swap3A_422 = tpu.vector_load %arg8[%swap3A_421] {strides = array<i32>} : memref<512xi32, #tpu.memory_space<vmem>>, vector<16xi32>,
    %swap3A_423 = vector.shape_cast %swap3A_422 : vector<16xi32> to vector<16xi32>
    %swap3A_424 = vector.shape_cast %select_n3A_420 : vector<16xi32> to vector<16xi32>
    tpu.vector_store %arg8[%swap3A_421], %swap3A_424 {strides = array<i32>} : memref<512xi32, #tpu.memory_space<vmem>>, vector<16xi32>,
    %broadcast_in_dim3A_425 = vector.shape_cast %and3A_18 : vector<16xi32> to vector<16x1xi32>
    %gather3A_426 = vector.shape_cast %broadcast_in_dim3A_425 : vector<16x1xi32> to vector<16xi32>
    %gather3A_427 = tpu.dynamic_gather %get3A_410[%gather3A_426] in [0] : vector<16xi32>, vector<16xi32> -> vector<16xi32>
    %broadcast_in_dim3A_428 = vector.shape_cast %and3A_18 : vector<16xi32> to vector<16x1xi32>
    %gather3A_429 = vector.shape_cast %broadcast_in_dim3A_428 : vector<16x1xi32> to vector<16xi32>
    %gather3A_430 = tpu.dynamic_gather %get3A_413[%gather3A_429] in [0] : vector<16xi32>, vector<16xi32> -> vector<16xi32>
    %select_n3A_431 = arith.select %lt3A_20, %gather3A_427, %gather3A_430 : vector<16xi1>, vector<16xi32>
    %swap3A_432 = arith.constant 224 : index
    %swap3A_433 = tpu.vector_load %arg9[%swap3A_432] {strides = array<i32>} : memref<512xi32, #tpu.memory_space<vmem>>, vector<16xi32>,
    %swap3A_434 = vector.shape_cast %swap3A_433 : vector<16xi32> to vector<16xi32>
    %swap3A_435 = vector.shape_cast %select_n3A_431 : vector<16xi32> to vector<16xi32>
    tpu.vector_store %arg9[%swap3A_432], %swap3A_435 {strides = array<i32>} : memref<512xi32, #tpu.memory_space<vmem>>, vector<16xi32>,
    %get3A_436 = arith.constant 480 : index
    %get3A_437 = tpu.vector_load %arg7[%get3A_436] {strides = array<i32>} : memref<1024xi32, #tpu.memory_space<vmem>>, vector<16xi32>,
    %get3A_438 = vector.shape_cast %get3A_437 : vector<16xi32> to vector<16xi32>
    %get3A_439 = arith.constant 496 : index
    %get3A_440 = tpu.vector_load %arg7[%get3A_439] {strides = array<i32>} : memref<1024xi32, #tpu.memory_space<vmem>>, vector<16xi32>,
    %get3A_441 = vector.shape_cast %get3A_440 : vector<16xi32> to vector<16xi32>
    %broadcast_in_dim3A_442 = vector.shape_cast %and3A_9 : vector<16xi32> to vector<16x1xi32>
    %gather3A_443 = vector.shape_cast %broadcast_in_dim3A_442 : vector<16x1xi32> to vector<16xi32>
    %gather3A_444 = tpu.dynamic_gather %get3A_438[%gather3A_443] in [0] : vector<16xi32>, vector<16xi32> -> vector<16xi32>
    %broadcast_in_dim3A_445 = vector.shape_cast %and3A_9 : vector<16xi32> to vector<16x1xi32>
    %gather3A_446 = vector.shape_cast %broadcast_in_dim3A_445 : vector<16x1xi32> to vector<16xi32>
    %gather3A_447 = tpu.dynamic_gather %get3A_441[%gather3A_446] in [0] : vector<16xi32>, vector<16xi32> -> vector<16xi32>
    %select_n3A_448 = arith.select %lt3A_20, %gather3A_444, %gather3A_447 : vector<16xi1>, vector<16xi32>
    %swap3A_449 = arith.constant 240 : index
    %swap3A_450 = tpu.vector_load %arg8[%swap3A_449] {strides = array<i32>} : memref<512xi32, #tpu.memory_space<vmem>>, vector<16xi32>,
    %swap3A_451 = vector.shape_cast %swap3A_450 : vector<16xi32> to vector<16xi32>
    %swap3A_452 = vector.shape_cast %select_n3A_448 : vector<16xi32> to vector<16xi32>
    tpu.vector_store %arg8[%swap3A_449], %swap3A_452 {strides = array<i32>} : memref<512xi32, #tpu.memory_space<vmem>>, vector<16xi32>,
    %broadcast_in_dim3A_453 = vector.shape_cast %and3A_18 : vector<16xi32> to vector<16x1xi32>
    %gather3A_454 = vector.shape_cast %broadcast_in_dim3A_453 : vector<16x1xi32> to vector<16xi32>
    %gather3A_455 = tpu.dynamic_gather %get3A_438[%gather3A_454] in [0] : vector<16xi32>, vector<16xi32> -> vector<16xi32>
    %broadcast_in_dim3A_456 = vector.shape_cast %and3A_18 : vector<16xi32> to vector<16x1xi32>
    %gather3A_457 = vector.shape_cast %broadcast_in_dim3A_456 : vector<16x1xi32> to vector<16xi32>
    %gather3A_458 = tpu.dynamic_gather %get3A_441[%gather3A_457] in [0] : vector<16xi32>, vector<16xi32> -> vector<16xi32>
    %select_n3A_459 = arith.select %lt3A_20, %gather3A_455, %gather3A_458 : vector<16xi1>, vector<16xi32>
    %swap3A_460 = arith.constant 240 : index
    %swap3A_461 = tpu.vector_load %arg9[%swap3A_460] {strides = array<i32>} : memref<512xi32, #tpu.memory_space<vmem>>, vector<16xi32>,
    %swap3A_462 = vector.shape_cast %swap3A_461 : vector<16xi32> to vector<16xi32>
    %swap3A_463 = vector.shape_cast %select_n3A_459 : vector<16xi32> to vector<16xi32>
    tpu.vector_store %arg9[%swap3A_460], %swap3A_463 {strides = array<i32>} : memref<512xi32, #tpu.memory_space<vmem>>, vector<16xi32>,
    %get3A_464 = arith.constant 512 : index
    %get3A_465 = tpu.vector_load %arg7[%get3A_464] {strides = array<i32>} : memref<1024xi32, #tpu.memory_space<vmem>>, vector<16xi32>,
    %get3A_466 = vector.shape_cast %get3A_465 : vector<16xi32> to vector<16xi32>
    %get3A_467 = arith.constant 528 : index
    %get3A_468 = tpu.vector_load %arg7[%get3A_467] {strides = array<i32>} : memref<1024xi32, #tpu.memory_space<vmem>>, vector<16xi32>,
    %get3A_469 = vector.shape_cast %get3A_468 : vector<16xi32> to vector<16xi32>
    %broadcast_in_dim3A_470 = vector.shape_cast %and3A_9 : vector<16xi32> to vector<16x1xi32>
    %gather3A_471 = vector.shape_cast %broadcast_in_dim3A_470 : vector<16x1xi32> to vector<16xi32>
    %gather3A_472 = tpu.dynamic_gather %get3A_466[%gather3A_471] in [0] : vector<16xi32>, vector<16xi32> -> vector<16xi32>
    %broadcast_in_dim3A_473 = vector.shape_cast %and3A_9 : vector<16xi32> to vector<16x1xi32>
    %gather3A_474 = vector.shape_cast %broadcast_in_dim3A_473 : vector<16x1xi32> to vector<16xi32>
    %gather3A_475 = tpu.dynamic_gather %get3A_469[%gather3A_474] in [0] : vector<16xi32>, vector<16xi32> -> vector<16xi32>
    %select_n3A_476 = arith.select %lt3A_20, %gather3A_472, %gather3A_475 : vector<16xi1>, vector<16xi32>
    %swap3A_477 = arith.constant 256 : index
    %swap3A_478 = tpu.vector_load %arg8[%swap3A_477] {strides = array<i32>} : memref<512xi32, #tpu.memory_space<vmem>>, vector<16xi32>,
    %swap3A_479 = vector.shape_cast %swap3A_478 : vector<16xi32> to vector<16xi32>
    %swap3A_480 = vector.shape_cast %select_n3A_476 : vector<16xi32> to vector<16xi32>
    tpu.vector_store %arg8[%swap3A_477], %swap3A_480 {strides = array<i32>} : memref<512xi32, #tpu.memory_space<vmem>>, vector<16xi32>,
    %broadcast_in_dim3A_481 = vector.shape_cast %and3A_18 : vector<16xi32> to vector<16x1xi32>
    %gather3A_482 = vector.shape_cast %broadcast_in_dim3A_481 : vector<16x1xi32> to vector<16xi32>
    %gather3A_483 = tpu.dynamic_gather %get3A_466[%gather3A_482] in [0] : vector<16xi32>, vector<16xi32> -> vector<16xi32>
    %broadcast_in_dim3A_484 = vector.shape_cast %and3A_18 : vector<16xi32> to vector<16x1xi32>
    %gather3A_485 = vector.shape_cast %broadcast_in_dim3A_484 : vector<16x1xi32> to vector<16xi32>
    %gather3A_486 = tpu.dynamic_gather %get3A_469[%gather3A_485] in [0] : vector<16xi32>, vector<16xi32> -> vector<16xi32>
    %select_n3A_487 = arith.select %lt3A_20, %gather3A_483, %gather3A_486 : vector<16xi1>, vector<16xi32>
    %swap3A_488 = arith.constant 256 : index
    %swap3A_489 = tpu.vector_load %arg9[%swap3A_488] {strides = array<i32>} : memref<512xi32, #tpu.memory_space<vmem>>, vector<16xi32>,
    %swap3A_490 = vector.shape_cast %swap3A_489 : vector<16xi32> to vector<16xi32>
    %swap3A_491 = vector.shape_cast %select_n3A_487 : vector<16xi32> to vector<16xi32>
    tpu.vector_store %arg9[%swap3A_488], %swap3A_491 {strides = array<i32>} : memref<512xi32, #tpu.memory_space<vmem>>, vector<16xi32>,
    %get3A_492 = arith.constant 544 : index
    %get3A_493 = tpu.vector_load %arg7[%get3A_492] {strides = array<i32>} : memref<1024xi32, #tpu.memory_space<vmem>>, vector<16xi32>,
    %get3A_494 = vector.shape_cast %get3A_493 : vector<16xi32> to vector<16xi32>
    %get3A_495 = arith.constant 560 : index
    %get3A_496 = tpu.vector_load %arg7[%get3A_495] {strides = array<i32>} : memref<1024xi32, #tpu.memory_space<vmem>>, vector<16xi32>,
    %get3A_497 = vector.shape_cast %get3A_496 : vector<16xi32> to vector<16xi32>
    %broadcast_in_dim3A_498 = vector.shape_cast %and3A_9 : vector<16xi32> to vector<16x1xi32>
    %gather3A_499 = vector.shape_cast %broadcast_in_dim3A_498 : vector<16x1xi32> to vector<16xi32>
    %gather3A_500 = tpu.dynamic_gather %get3A_494[%gather3A_499] in [0] : vector<16xi32>, vector<16xi32> -> vector<16xi32>
    %broadcast_in_dim3A_501 = vector.shape_cast %and3A_9 : vector<16xi32> to vector<16x1xi32>
    %gather3A_502 = vector.shape_cast %broadcast_in_dim3A_501 : vector<16x1xi32> to vector<16xi32>
    %gather3A_503 = tpu.dynamic_gather %get3A_497[%gather3A_502] in [0] : vector<16xi32>, vector<16xi32> -> vector<16xi32>
    %select_n3A_504 = arith.select %lt3A_20, %gather3A_500, %gather3A_503 : vector<16xi1>, vector<16xi32>
    %swap3A_505 = arith.constant 272 : index
    %swap3A_506 = tpu.vector_load %arg8[%swap3A_505] {strides = array<i32>} : memref<512xi32, #tpu.memory_space<vmem>>, vector<16xi32>,
    %swap3A_507 = vector.shape_cast %swap3A_506 : vector<16xi32> to vector<16xi32>
    %swap3A_508 = vector.shape_cast %select_n3A_504 : vector<16xi32> to vector<16xi32>
    tpu.vector_store %arg8[%swap3A_505], %swap3A_508 {strides = array<i32>} : memref<512xi32, #tpu.memory_space<vmem>>, vector<16xi32>,
    %broadcast_in_dim3A_509 = vector.shape_cast %and3A_18 : vector<16xi32> to vector<16x1xi32>
    %gather3A_510 = vector.shape_cast %broadcast_in_dim3A_509 : vector<16x1xi32> to vector<16xi32>
    %gather3A_511 = tpu.dynamic_gather %get3A_494[%gather3A_510] in [0] : vector<16xi32>, vector<16xi32> -> vector<16xi32>
    %broadcast_in_dim3A_512 = vector.shape_cast %and3A_18 : vector<16xi32> to vector<16x1xi32>
    %gather3A_513 = vector.shape_cast %broadcast_in_dim3A_512 : vector<16x1xi32> to vector<16xi32>
    %gather3A_514 = tpu.dynamic_gather %get3A_497[%gather3A_513] in [0] : vector<16xi32>, vector<16xi32> -> vector<16xi32>
    %select_n3A_515 = arith.select %lt3A_20, %gather3A_511, %gather3A_514 : vector<16xi1>, vector<16xi32>
    %swap3A_516 = arith.constant 272 : index
    %swap3A_517 = tpu.vector_load %arg9[%swap3A_516] {strides = array<i32>} : memref<512xi32, #tpu.memory_space<vmem>>, vector<16xi32>,
    %swap3A_518 = vector.shape_cast %swap3A_517 : vector<16xi32> to vector<16xi32>
    %swap3A_519 = vector.shape_cast %select_n3A_515 : vector<16xi32> to vector<16xi32>
    tpu.vector_store %arg9[%swap3A_516], %swap3A_519 {strides = array<i32>} : memref<512xi32, #tpu.memory_space<vmem>>, vector<16xi32>,
    %get3A_520 = arith.constant 576 : index
    %get3A_521 = tpu.vector_load %arg7[%get3A_520] {strides = array<i32>} : memref<1024xi32, #tpu.memory_space<vmem>>, vector<16xi32>,
    %get3A_522 = vector.shape_cast %get3A_521 : vector<16xi32> to vector<16xi32>
    %get3A_523 = arith.constant 592 : index
    %get3A_524 = tpu.vector_load %arg7[%get3A_523] {strides = array<i32>} : memref<1024xi32, #tpu.memory_space<vmem>>, vector<16xi32>,
    %get3A_525 = vector.shape_cast %get3A_524 : vector<16xi32> to vector<16xi32>
    %broadcast_in_dim3A_526 = vector.shape_cast %and3A_9 : vector<16xi32> to vector<16x1xi32>
    %gather3A_527 = vector.shape_cast %broadcast_in_dim3A_526 : vector<16x1xi32> to vector<16xi32>
    %gather3A_528 = tpu.dynamic_gather %get3A_522[%gather3A_527] in [0] : vector<16xi32>, vector<16xi32> -> vector<16xi32>
    %broadcast_in_dim3A_529 = vector.shape_cast %and3A_9 : vector<16xi32> to vector<16x1xi32>
    %gather3A_530 = vector.shape_cast %broadcast_in_dim3A_529 : vector<16x1xi32> to vector<16xi32>
    %gather3A_531 = tpu.dynamic_gather %get3A_525[%gather3A_530] in [0] : vector<16xi32>, vector<16xi32> -> vector<16xi32>
    %select_n3A_532 = arith.select %lt3A_20, %gather3A_528, %gather3A_531 : vector<16xi1>, vector<16xi32>
    %swap3A_533 = arith.constant 288 : index
    %swap3A_534 = tpu.vector_load %arg8[%swap3A_533] {strides = array<i32>} : memref<512xi32, #tpu.memory_space<vmem>>, vector<16xi32>,
    %swap3A_535 = vector.shape_cast %swap3A_534 : vector<16xi32> to vector<16xi32>
    %swap3A_536 = vector.shape_cast %select_n3A_532 : vector<16xi32> to vector<16xi32>
    tpu.vector_store %arg8[%swap3A_533], %swap3A_536 {strides = array<i32>} : memref<512xi32, #tpu.memory_space<vmem>>, vector<16xi32>,
    %broadcast_in_dim3A_537 = vector.shape_cast %and3A_18 : vector<16xi32> to vector<16x1xi32>
    %gather3A_538 = vector.shape_cast %broadcast_in_dim3A_537 : vector<16x1xi32> to vector<16xi32>
    %gather3A_539 = tpu.dynamic_gather %get3A_522[%gather3A_538] in [0] : vector<16xi32>, vector<16xi32> -> vector<16xi32>
    %broadcast_in_dim3A_540 = vector.shape_cast %and3A_18 : vector<16xi32> to vector<16x1xi32>
    %gather3A_541 = vector.shape_cast %broadcast_in_dim3A_540 : vector<16x1xi32> to vector<16xi32>
    %gather3A_542 = tpu.dynamic_gather %get3A_525[%gather3A_541] in [0] : vector<16xi32>, vector<16xi32> -> vector<16xi32>
    %select_n3A_543 = arith.select %lt3A_20, %gather3A_539, %gather3A_542 : vector<16xi1>, vector<16xi32>
    %swap3A_544 = arith.constant 288 : index
    %swap3A_545 = tpu.vector_load %arg9[%swap3A_544] {strides = array<i32>} : memref<512xi32, #tpu.memory_space<vmem>>, vector<16xi32>,
    %swap3A_546 = vector.shape_cast %swap3A_545 : vector<16xi32> to vector<16xi32>
    %swap3A_547 = vector.shape_cast %select_n3A_543 : vector<16xi32> to vector<16xi32>
    tpu.vector_store %arg9[%swap3A_544], %swap3A_547 {strides = array<i32>} : memref<512xi32, #tpu.memory_space<vmem>>, vector<16xi32>,
    %get3A_548 = arith.constant 608 : index
    %get3A_549 = tpu.vector_load %arg7[%get3A_548] {strides = array<i32>} : memref<1024xi32, #tpu.memory_space<vmem>>, vector<16xi32>,
    %get3A_550 = vector.shape_cast %get3A_549 : vector<16xi32> to vector<16xi32>
    %get3A_551 = arith.constant 624 : index
    %get3A_552 = tpu.vector_load %arg7[%get3A_551] {strides = array<i32>} : memref<1024xi32, #tpu.memory_space<vmem>>, vector<16xi32>,
    %get3A_553 = vector.shape_cast %get3A_552 : vector<16xi32> to vector<16xi32>
    %broadcast_in_dim3A_554 = vector.shape_cast %and3A_9 : vector<16xi32> to vector<16x1xi32>
    %gather3A_555 = vector.shape_cast %broadcast_in_dim3A_554 : vector<16x1xi32> to vector<16xi32>
    %gather3A_556 = tpu.dynamic_gather %get3A_550[%gather3A_555] in [0] : vector<16xi32>, vector<16xi32> -> vector<16xi32>
    %broadcast_in_dim3A_557 = vector.shape_cast %and3A_9 : vector<16xi32> to vector<16x1xi32>
    %gather3A_558 = vector.shape_cast %broadcast_in_dim3A_557 : vector<16x1xi32> to vector<16xi32>
    %gather3A_559 = tpu.dynamic_gather %get3A_553[%gather3A_558] in [0] : vector<16xi32>, vector<16xi32> -> vector<16xi32>
    %select_n3A_560 = arith.select %lt3A_20, %gather3A_556, %gather3A_559 : vector<16xi1>, vector<16xi32>
    %swap3A_561 = arith.constant 304 : index
    %swap3A_562 = tpu.vector_load %arg8[%swap3A_561] {strides = array<i32>} : memref<512xi32, #tpu.memory_space<vmem>>, vector<16xi32>,
    %swap3A_563 = vector.shape_cast %swap3A_562 : vector<16xi32> to vector<16xi32>
    %swap3A_564 = vector.shape_cast %select_n3A_560 : vector<16xi32> to vector<16xi32>
    tpu.vector_store %arg8[%swap3A_561], %swap3A_564 {strides = array<i32>} : memref<512xi32, #tpu.memory_space<vmem>>, vector<16xi32>,
    %broadcast_in_dim3A_565 = vector.shape_cast %and3A_18 : vector<16xi32> to vector<16x1xi32>
    %gather3A_566 = vector.shape_cast %broadcast_in_dim3A_565 : vector<16x1xi32> to vector<16xi32>
    %gather3A_567 = tpu.dynamic_gather %get3A_550[%gather3A_566] in [0] : vector<16xi32>, vector<16xi32> -> vector<16xi32>
    %broadcast_in_dim3A_568 = vector.shape_cast %and3A_18 : vector<16xi32> to vector<16x1xi32>
    %gather3A_569 = vector.shape_cast %broadcast_in_dim3A_568 : vector<16x1xi32> to vector<16xi32>
    %gather3A_570 = tpu.dynamic_gather %get3A_553[%gather3A_569] in [0] : vector<16xi32>, vector<16xi32> -> vector<16xi32>
    %select_n3A_571 = arith.select %lt3A_20, %gather3A_567, %gather3A_570 : vector<16xi1>, vector<16xi32>
    %swap3A_572 = arith.constant 304 : index
    %swap3A_573 = tpu.vector_load %arg9[%swap3A_572] {strides = array<i32>} : memref<512xi32, #tpu.memory_space<vmem>>, vector<16xi32>,
    %swap3A_574 = vector.shape_cast %swap3A_573 : vector<16xi32> to vector<16xi32>
    %swap3A_575 = vector.shape_cast %select_n3A_571 : vector<16xi32> to vector<16xi32>
    tpu.vector_store %arg9[%swap3A_572], %swap3A_575 {strides = array<i32>} : memref<512xi32, #tpu.memory_space<vmem>>, vector<16xi32>,
    %get3A_576 = arith.constant 640 : index
    %get3A_577 = tpu.vector_load %arg7[%get3A_576] {strides = array<i32>} : memref<1024xi32, #tpu.memory_space<vmem>>, vector<16xi32>,
    %get3A_578 = vector.shape_cast %get3A_577 : vector<16xi32> to vector<16xi32>
    %get3A_579 = arith.constant 656 : index
    %get3A_580 = tpu.vector_load %arg7[%get3A_579] {strides = array<i32>} : memref<1024xi32, #tpu.memory_space<vmem>>, vector<16xi32>,
    %get3A_581 = vector.shape_cast %get3A_580 : vector<16xi32> to vector<16xi32>
    %broadcast_in_dim3A_582 = vector.shape_cast %and3A_9 : vector<16xi32> to vector<16x1xi32>
    %gather3A_583 = vector.shape_cast %broadcast_in_dim3A_582 : vector<16x1xi32> to vector<16xi32>
    %gather3A_584 = tpu.dynamic_gather %get3A_578[%gather3A_583] in [0] : vector<16xi32>, vector<16xi32> -> vector<16xi32>
    %broadcast_in_dim3A_585 = vector.shape_cast %and3A_9 : vector<16xi32> to vector<16x1xi32>
    %gather3A_586 = vector.shape_cast %broadcast_in_dim3A_585 : vector<16x1xi32> to vector<16xi32>
    %gather3A_587 = tpu.dynamic_gather %get3A_581[%gather3A_586] in [0] : vector<16xi32>, vector<16xi32> -> vector<16xi32>
    %select_n3A_588 = arith.select %lt3A_20, %gather3A_584, %gather3A_587 : vector<16xi1>, vector<16xi32>
    %swap3A_589 = arith.constant 320 : index
    %swap3A_590 = tpu.vector_load %arg8[%swap3A_589] {strides = array<i32>} : memref<512xi32, #tpu.memory_space<vmem>>, vector<16xi32>,
    %swap3A_591 = vector.shape_cast %swap3A_590 : vector<16xi32> to vector<16xi32>
    %swap3A_592 = vector.shape_cast %select_n3A_588 : vector<16xi32> to vector<16xi32>
    tpu.vector_store %arg8[%swap3A_589], %swap3A_592 {strides = array<i32>} : memref<512xi32, #tpu.memory_space<vmem>>, vector<16xi32>,
    %broadcast_in_dim3A_593 = vector.shape_cast %and3A_18 : vector<16xi32> to vector<16x1xi32>
    %gather3A_594 = vector.shape_cast %broadcast_in_dim3A_593 : vector<16x1xi32> to vector<16xi32>
    %gather3A_595 = tpu.dynamic_gather %get3A_578[%gather3A_594] in [0] : vector<16xi32>, vector<16xi32> -> vector<16xi32>
    %broadcast_in_dim3A_596 = vector.shape_cast %and3A_18 : vector<16xi32> to vector<16x1xi32>
    %gather3A_597 = vector.shape_cast %broadcast_in_dim3A_596 : vector<16x1xi32> to vector<16xi32>
    %gather3A_598 = tpu.dynamic_gather %get3A_581[%gather3A_597] in [0] : vector<16xi32>, vector<16xi32> -> vector<16xi32>
    %select_n3A_599 = arith.select %lt3A_20, %gather3A_595, %gather3A_598 : vector<16xi1>, vector<16xi32>
    %swap3A_600 = arith.constant 320 : index
    %swap3A_601 = tpu.vector_load %arg9[%swap3A_600] {strides = array<i32>} : memref<512xi32, #tpu.memory_space<vmem>>, vector<16xi32>,
    %swap3A_602 = vector.shape_cast %swap3A_601 : vector<16xi32> to vector<16xi32>
    %swap3A_603 = vector.shape_cast %select_n3A_599 : vector<16xi32> to vector<16xi32>
    tpu.vector_store %arg9[%swap3A_600], %swap3A_603 {strides = array<i32>} : memref<512xi32, #tpu.memory_space<vmem>>, vector<16xi32>,
    %get3A_604 = arith.constant 672 : index
    %get3A_605 = tpu.vector_load %arg7[%get3A_604] {strides = array<i32>} : memref<1024xi32, #tpu.memory_space<vmem>>, vector<16xi32>,
    %get3A_606 = vector.shape_cast %get3A_605 : vector<16xi32> to vector<16xi32>
    %get3A_607 = arith.constant 688 : index
    %get3A_608 = tpu.vector_load %arg7[%get3A_607] {strides = array<i32>} : memref<1024xi32, #tpu.memory_space<vmem>>, vector<16xi32>,
    %get3A_609 = vector.shape_cast %get3A_608 : vector<16xi32> to vector<16xi32>
    %broadcast_in_dim3A_610 = vector.shape_cast %and3A_9 : vector<16xi32> to vector<16x1xi32>
    %gather3A_611 = vector.shape_cast %broadcast_in_dim3A_610 : vector<16x1xi32> to vector<16xi32>
    %gather3A_612 = tpu.dynamic_gather %get3A_606[%gather3A_611] in [0] : vector<16xi32>, vector<16xi32> -> vector<16xi32>
    %broadcast_in_dim3A_613 = vector.shape_cast %and3A_9 : vector<16xi32> to vector<16x1xi32>
    %gather3A_614 = vector.shape_cast %broadcast_in_dim3A_613 : vector<16x1xi32> to vector<16xi32>
    %gather3A_615 = tpu.dynamic_gather %get3A_609[%gather3A_614] in [0] : vector<16xi32>, vector<16xi32> -> vector<16xi32>
    %select_n3A_616 = arith.select %lt3A_20, %gather3A_612, %gather3A_615 : vector<16xi1>, vector<16xi32>
    %swap3A_617 = arith.constant 336 : index
    %swap3A_618 = tpu.vector_load %arg8[%swap3A_617] {strides = array<i32>} : memref<512xi32, #tpu.memory_space<vmem>>, vector<16xi32>,
    %swap3A_619 = vector.shape_cast %swap3A_618 : vector<16xi32> to vector<16xi32>
    %swap3A_620 = vector.shape_cast %select_n3A_616 : vector<16xi32> to vector<16xi32>
    tpu.vector_store %arg8[%swap3A_617], %swap3A_620 {strides = array<i32>} : memref<512xi32, #tpu.memory_space<vmem>>, vector<16xi32>,
    %broadcast_in_dim3A_621 = vector.shape_cast %and3A_18 : vector<16xi32> to vector<16x1xi32>
    %gather3A_622 = vector.shape_cast %broadcast_in_dim3A_621 : vector<16x1xi32> to vector<16xi32>
    %gather3A_623 = tpu.dynamic_gather %get3A_606[%gather3A_622] in [0] : vector<16xi32>, vector<16xi32> -> vector<16xi32>
    %broadcast_in_dim3A_624 = vector.shape_cast %and3A_18 : vector<16xi32> to vector<16x1xi32>
    %gather3A_625 = vector.shape_cast %broadcast_in_dim3A_624 : vector<16x1xi32> to vector<16xi32>
    %gather3A_626 = tpu.dynamic_gather %get3A_609[%gather3A_625] in [0] : vector<16xi32>, vector<16xi32> -> vector<16xi32>
    %select_n3A_627 = arith.select %lt3A_20, %gather3A_623, %gather3A_626 : vector<16xi1>, vector<16xi32>
    %swap3A_628 = arith.constant 336 : index
    %swap3A_629 = tpu.vector_load %arg9[%swap3A_628] {strides = array<i32>} : memref<512xi32, #tpu.memory_space<vmem>>, vector<16xi32>,
    %swap3A_630 = vector.shape_cast %swap3A_629 : vector<16xi32> to vector<16xi32>
    %swap3A_631 = vector.shape_cast %select_n3A_627 : vector<16xi32> to vector<16xi32>
    tpu.vector_store %arg9[%swap3A_628], %swap3A_631 {strides = array<i32>} : memref<512xi32, #tpu.memory_space<vmem>>, vector<16xi32>,
    %get3A_632 = arith.constant 704 : index
    %get3A_633 = tpu.vector_load %arg7[%get3A_632] {strides = array<i32>} : memref<1024xi32, #tpu.memory_space<vmem>>, vector<16xi32>,
    %get3A_634 = vector.shape_cast %get3A_633 : vector<16xi32> to vector<16xi32>
    %get3A_635 = arith.constant 720 : index
    %get3A_636 = tpu.vector_load %arg7[%get3A_635] {strides = array<i32>} : memref<1024xi32, #tpu.memory_space<vmem>>, vector<16xi32>,
    %get3A_637 = vector.shape_cast %get3A_636 : vector<16xi32> to vector<16xi32>
    %broadcast_in_dim3A_638 = vector.shape_cast %and3A_9 : vector<16xi32> to vector<16x1xi32>
    %gather3A_639 = vector.shape_cast %broadcast_in_dim3A_638 : vector<16x1xi32> to vector<16xi32>
    %gather3A_640 = tpu.dynamic_gather %get3A_634[%gather3A_639] in [0] : vector<16xi32>, vector<16xi32> -> vector<16xi32>
    %broadcast_in_dim3A_641 = vector.shape_cast %and3A_9 : vector<16xi32> to vector<16x1xi32>
    %gather3A_642 = vector.shape_cast %broadcast_in_dim3A_641 : vector<16x1xi32> to vector<16xi32>
    %gather3A_643 = tpu.dynamic_gather %get3A_637[%gather3A_642] in [0] : vector<16xi32>, vector<16xi32> -> vector<16xi32>
    %select_n3A_644 = arith.select %lt3A_20, %gather3A_640, %gather3A_643 : vector<16xi1>, vector<16xi32>
    %swap3A_645 = arith.constant 352 : index
    %swap3A_646 = tpu.vector_load %arg8[%swap3A_645] {strides = array<i32>} : memref<512xi32, #tpu.memory_space<vmem>>, vector<16xi32>,
    %swap3A_647 = vector.shape_cast %swap3A_646 : vector<16xi32> to vector<16xi32>
    %swap3A_648 = vector.shape_cast %select_n3A_644 : vector<16xi32> to vector<16xi32>
    tpu.vector_store %arg8[%swap3A_645], %swap3A_648 {strides = array<i32>} : memref<512xi32, #tpu.memory_space<vmem>>, vector<16xi32>,
    %broadcast_in_dim3A_649 = vector.shape_cast %and3A_18 : vector<16xi32> to vector<16x1xi32>
    %gather3A_650 = vector.shape_cast %broadcast_in_dim3A_649 : vector<16x1xi32> to vector<16xi32>
    %gather3A_651 = tpu.dynamic_gather %get3A_634[%gather3A_650] in [0] : vector<16xi32>, vector<16xi32> -> vector<16xi32>
    %broadcast_in_dim3A_652 = vector.shape_cast %and3A_18 : vector<16xi32> to vector<16x1xi32>
    %gather3A_653 = vector.shape_cast %broadcast_in_dim3A_652 : vector<16x1xi32> to vector<16xi32>
    %gather3A_654 = tpu.dynamic_gather %get3A_637[%gather3A_653] in [0] : vector<16xi32>, vector<16xi32> -> vector<16xi32>
    %select_n3A_655 = arith.select %lt3A_20, %gather3A_651, %gather3A_654 : vector<16xi1>, vector<16xi32>
    %swap3A_656 = arith.constant 352 : index
    %swap3A_657 = tpu.vector_load %arg9[%swap3A_656] {strides = array<i32>} : memref<512xi32, #tpu.memory_space<vmem>>, vector<16xi32>,
    %swap3A_658 = vector.shape_cast %swap3A_657 : vector<16xi32> to vector<16xi32>
    %swap3A_659 = vector.shape_cast %select_n3A_655 : vector<16xi32> to vector<16xi32>
    tpu.vector_store %arg9[%swap3A_656], %swap3A_659 {strides = array<i32>} : memref<512xi32, #tpu.memory_space<vmem>>, vector<16xi32>,
    %get3A_660 = arith.constant 736 : index
    %get3A_661 = tpu.vector_load %arg7[%get3A_660] {strides = array<i32>} : memref<1024xi32, #tpu.memory_space<vmem>>, vector<16xi32>,
    %get3A_662 = vector.shape_cast %get3A_661 : vector<16xi32> to vector<16xi32>
    %get3A_663 = arith.constant 752 : index
    %get3A_664 = tpu.vector_load %arg7[%get3A_663] {strides = array<i32>} : memref<1024xi32, #tpu.memory_space<vmem>>, vector<16xi32>,
    %get3A_665 = vector.shape_cast %get3A_664 : vector<16xi32> to vector<16xi32>
    %broadcast_in_dim3A_666 = vector.shape_cast %and3A_9 : vector<16xi32> to vector<16x1xi32>
    %gather3A_667 = vector.shape_cast %broadcast_in_dim3A_666 : vector<16x1xi32> to vector<16xi32>
    %gather3A_668 = tpu.dynamic_gather %get3A_662[%gather3A_667] in [0] : vector<16xi32>, vector<16xi32> -> vector<16xi32>
    %broadcast_in_dim3A_669 = vector.shape_cast %and3A_9 : vector<16xi32> to vector<16x1xi32>
    %gather3A_670 = vector.shape_cast %broadcast_in_dim3A_669 : vector<16x1xi32> to vector<16xi32>
    %gather3A_671 = tpu.dynamic_gather %get3A_665[%gather3A_670] in [0] : vector<16xi32>, vector<16xi32> -> vector<16xi32>
    %select_n3A_672 = arith.select %lt3A_20, %gather3A_668, %gather3A_671 : vector<16xi1>, vector<16xi32>
    %swap3A_673 = arith.constant 368 : index
    %swap3A_674 = tpu.vector_load %arg8[%swap3A_673] {strides = array<i32>} : memref<512xi32, #tpu.memory_space<vmem>>, vector<16xi32>,
    %swap3A_675 = vector.shape_cast %swap3A_674 : vector<16xi32> to vector<16xi32>
    %swap3A_676 = vector.shape_cast %select_n3A_672 : vector<16xi32> to vector<16xi32>
    tpu.vector_store %arg8[%swap3A_673], %swap3A_676 {strides = array<i32>} : memref<512xi32, #tpu.memory_space<vmem>>, vector<16xi32>,
    %broadcast_in_dim3A_677 = vector.shape_cast %and3A_18 : vector<16xi32> to vector<16x1xi32>
    %gather3A_678 = vector.shape_cast %broadcast_in_dim3A_677 : vector<16x1xi32> to vector<16xi32>
    %gather3A_679 = tpu.dynamic_gather %get3A_662[%gather3A_678] in [0] : vector<16xi32>, vector<16xi32> -> vector<16xi32>
    %broadcast_in_dim3A_680 = vector.shape_cast %and3A_18 : vector<16xi32> to vector<16x1xi32>
    %gather3A_681 = vector.shape_cast %broadcast_in_dim3A_680 : vector<16x1xi32> to vector<16xi32>
    %gather3A_682 = tpu.dynamic_gather %get3A_665[%gather3A_681] in [0] : vector<16xi32>, vector<16xi32> -> vector<16xi32>
    %select_n3A_683 = arith.select %lt3A_20, %gather3A_679, %gather3A_682 : vector<16xi1>, vector<16xi32>
    %swap3A_684 = arith.constant 368 : index
    %swap3A_685 = tpu.vector_load %arg9[%swap3A_684] {strides = array<i32>} : memref<512xi32, #tpu.memory_space<vmem>>, vector<16xi32>,
    %swap3A_686 = vector.shape_cast %swap3A_685 : vector<16xi32> to vector<16xi32>
    %swap3A_687 = vector.shape_cast %select_n3A_683 : vector<16xi32> to vector<16xi32>
    tpu.vector_store %arg9[%swap3A_684], %swap3A_687 {strides = array<i32>} : memref<512xi32, #tpu.memory_space<vmem>>, vector<16xi32>,
    %get3A_688 = arith.constant 768 : index
    %get3A_689 = tpu.vector_load %arg7[%get3A_688] {strides = array<i32>} : memref<1024xi32, #tpu.memory_space<vmem>>, vector<16xi32>,
    %get3A_690 = vector.shape_cast %get3A_689 : vector<16xi32> to vector<16xi32>
    %get3A_691 = arith.constant 784 : index
    %get3A_692 = tpu.vector_load %arg7[%get3A_691] {strides = array<i32>} : memref<1024xi32, #tpu.memory_space<vmem>>, vector<16xi32>,
    %get3A_693 = vector.shape_cast %get3A_692 : vector<16xi32> to vector<16xi32>
    %broadcast_in_dim3A_694 = vector.shape_cast %and3A_9 : vector<16xi32> to vector<16x1xi32>
    %gather3A_695 = vector.shape_cast %broadcast_in_dim3A_694 : vector<16x1xi32> to vector<16xi32>
    %gather3A_696 = tpu.dynamic_gather %get3A_690[%gather3A_695] in [0] : vector<16xi32>, vector<16xi32> -> vector<16xi32>
    %broadcast_in_dim3A_697 = vector.shape_cast %and3A_9 : vector<16xi32> to vector<16x1xi32>
    %gather3A_698 = vector.shape_cast %broadcast_in_dim3A_697 : vector<16x1xi32> to vector<16xi32>
    %gather3A_699 = tpu.dynamic_gather %get3A_693[%gather3A_698] in [0] : vector<16xi32>, vector<16xi32> -> vector<16xi32>
    %select_n3A_700 = arith.select %lt3A_20, %gather3A_696, %gather3A_699 : vector<16xi1>, vector<16xi32>
    %swap3A_701 = arith.constant 384 : index
    %swap3A_702 = tpu.vector_load %arg8[%swap3A_701] {strides = array<i32>} : memref<512xi32, #tpu.memory_space<vmem>>, vector<16xi32>,
    %swap3A_703 = vector.shape_cast %swap3A_702 : vector<16xi32> to vector<16xi32>
    %swap3A_704 = vector.shape_cast %select_n3A_700 : vector<16xi32> to vector<16xi32>
    tpu.vector_store %arg8[%swap3A_701], %swap3A_704 {strides = array<i32>} : memref<512xi32, #tpu.memory_space<vmem>>, vector<16xi32>,
    %broadcast_in_dim3A_705 = vector.shape_cast %and3A_18 : vector<16xi32> to vector<16x1xi32>
    %gather3A_706 = vector.shape_cast %broadcast_in_dim3A_705 : vector<16x1xi32> to vector<16xi32>
    %gather3A_707 = tpu.dynamic_gather %get3A_690[%gather3A_706] in [0] : vector<16xi32>, vector<16xi32> -> vector<16xi32>
    %broadcast_in_dim3A_708 = vector.shape_cast %and3A_18 : vector<16xi32> to vector<16x1xi32>
    %gather3A_709 = vector.shape_cast %broadcast_in_dim3A_708 : vector<16x1xi32> to vector<16xi32>
    %gather3A_710 = tpu.dynamic_gather %get3A_693[%gather3A_709] in [0] : vector<16xi32>, vector<16xi32> -> vector<16xi32>
    %select_n3A_711 = arith.select %lt3A_20, %gather3A_707, %gather3A_710 : vector<16xi1>, vector<16xi32>
    %swap3A_712 = arith.constant 384 : index
    %swap3A_713 = tpu.vector_load %arg9[%swap3A_712] {strides = array<i32>} : memref<512xi32, #tpu.memory_space<vmem>>, vector<16xi32>,
    %swap3A_714 = vector.shape_cast %swap3A_713 : vector<16xi32> to vector<16xi32>
    %swap3A_715 = vector.shape_cast %select_n3A_711 : vector<16xi32> to vector<16xi32>
    tpu.vector_store %arg9[%swap3A_712], %swap3A_715 {strides = array<i32>} : memref<512xi32, #tpu.memory_space<vmem>>, vector<16xi32>,
    %get3A_716 = arith.constant 800 : index
    %get3A_717 = tpu.vector_load %arg7[%get3A_716] {strides = array<i32>} : memref<1024xi32, #tpu.memory_space<vmem>>, vector<16xi32>,
    %get3A_718 = vector.shape_cast %get3A_717 : vector<16xi32> to vector<16xi32>
    %get3A_719 = arith.constant 816 : index
    %get3A_720 = tpu.vector_load %arg7[%get3A_719] {strides = array<i32>} : memref<1024xi32, #tpu.memory_space<vmem>>, vector<16xi32>,
    %get3A_721 = vector.shape_cast %get3A_720 : vector<16xi32> to vector<16xi32>
    %broadcast_in_dim3A_722 = vector.shape_cast %and3A_9 : vector<16xi32> to vector<16x1xi32>
    %gather3A_723 = vector.shape_cast %broadcast_in_dim3A_722 : vector<16x1xi32> to vector<16xi32>
    %gather3A_724 = tpu.dynamic_gather %get3A_718[%gather3A_723] in [0] : vector<16xi32>, vector<16xi32> -> vector<16xi32>
    %broadcast_in_dim3A_725 = vector.shape_cast %and3A_9 : vector<16xi32> to vector<16x1xi32>
    %gather3A_726 = vector.shape_cast %broadcast_in_dim3A_725 : vector<16x1xi32> to vector<16xi32>
    %gather3A_727 = tpu.dynamic_gather %get3A_721[%gather3A_726] in [0] : vector<16xi32>, vector<16xi32> -> vector<16xi32>
    %select_n3A_728 = arith.select %lt3A_20, %gather3A_724, %gather3A_727 : vector<16xi1>, vector<16xi32>
    %swap3A_729 = arith.constant 400 : index
    %swap3A_730 = tpu.vector_load %arg8[%swap3A_729] {strides = array<i32>} : memref<512xi32, #tpu.memory_space<vmem>>, vector<16xi32>,
    %swap3A_731 = vector.shape_cast %swap3A_730 : vector<16xi32> to vector<16xi32>
    %swap3A_732 = vector.shape_cast %select_n3A_728 : vector<16xi32> to vector<16xi32>
    tpu.vector_store %arg8[%swap3A_729], %swap3A_732 {strides = array<i32>} : memref<512xi32, #tpu.memory_space<vmem>>, vector<16xi32>,
    %broadcast_in_dim3A_733 = vector.shape_cast %and3A_18 : vector<16xi32> to vector<16x1xi32>
    %gather3A_734 = vector.shape_cast %broadcast_in_dim3A_733 : vector<16x1xi32> to vector<16xi32>
    %gather3A_735 = tpu.dynamic_gather %get3A_718[%gather3A_734] in [0] : vector<16xi32>, vector<16xi32> -> vector<16xi32>
    %broadcast_in_dim3A_736 = vector.shape_cast %and3A_18 : vector<16xi32> to vector<16x1xi32>
    %gather3A_737 = vector.shape_cast %broadcast_in_dim3A_736 : vector<16x1xi32> to vector<16xi32>
    %gather3A_738 = tpu.dynamic_gather %get3A_721[%gather3A_737] in [0] : vector<16xi32>, vector<16xi32> -> vector<16xi32>
    %select_n3A_739 = arith.select %lt3A_20, %gather3A_735, %gather3A_738 : vector<16xi1>, vector<16xi32>
    %swap3A_740 = arith.constant 400 : index
    %swap3A_741 = tpu.vector_load %arg9[%swap3A_740] {strides = array<i32>} : memref<512xi32, #tpu.memory_space<vmem>>, vector<16xi32>,
    %swap3A_742 = vector.shape_cast %swap3A_741 : vector<16xi32> to vector<16xi32>
    %swap3A_743 = vector.shape_cast %select_n3A_739 : vector<16xi32> to vector<16xi32>
    tpu.vector_store %arg9[%swap3A_740], %swap3A_743 {strides = array<i32>} : memref<512xi32, #tpu.memory_space<vmem>>, vector<16xi32>,
    %get3A_744 = arith.constant 832 : index
    %get3A_745 = tpu.vector_load %arg7[%get3A_744] {strides = array<i32>} : memref<1024xi32, #tpu.memory_space<vmem>>, vector<16xi32>,
    %get3A_746 = vector.shape_cast %get3A_745 : vector<16xi32> to vector<16xi32>
    %get3A_747 = arith.constant 848 : index
    %get3A_748 = tpu.vector_load %arg7[%get3A_747] {strides = array<i32>} : memref<1024xi32, #tpu.memory_space<vmem>>, vector<16xi32>,
    %get3A_749 = vector.shape_cast %get3A_748 : vector<16xi32> to vector<16xi32>
    %broadcast_in_dim3A_750 = vector.shape_cast %and3A_9 : vector<16xi32> to vector<16x1xi32>
    %gather3A_751 = vector.shape_cast %broadcast_in_dim3A_750 : vector<16x1xi32> to vector<16xi32>
    %gather3A_752 = tpu.dynamic_gather %get3A_746[%gather3A_751] in [0] : vector<16xi32>, vector<16xi32> -> vector<16xi32>
    %broadcast_in_dim3A_753 = vector.shape_cast %and3A_9 : vector<16xi32> to vector<16x1xi32>
    %gather3A_754 = vector.shape_cast %broadcast_in_dim3A_753 : vector<16x1xi32> to vector<16xi32>
    %gather3A_755 = tpu.dynamic_gather %get3A_749[%gather3A_754] in [0] : vector<16xi32>, vector<16xi32> -> vector<16xi32>
    %select_n3A_756 = arith.select %lt3A_20, %gather3A_752, %gather3A_755 : vector<16xi1>, vector<16xi32>
    %swap3A_757 = arith.constant 416 : index
    %swap3A_758 = tpu.vector_load %arg8[%swap3A_757] {strides = array<i32>} : memref<512xi32, #tpu.memory_space<vmem>>, vector<16xi32>,
    %swap3A_759 = vector.shape_cast %swap3A_758 : vector<16xi32> to vector<16xi32>
    %swap3A_760 = vector.shape_cast %select_n3A_756 : vector<16xi32> to vector<16xi32>
    tpu.vector_store %arg8[%swap3A_757], %swap3A_760 {strides = array<i32>} : memref<512xi32, #tpu.memory_space<vmem>>, vector<16xi32>,
    %broadcast_in_dim3A_761 = vector.shape_cast %and3A_18 : vector<16xi32> to vector<16x1xi32>
    %gather3A_762 = vector.shape_cast %broadcast_in_dim3A_761 : vector<16x1xi32> to vector<16xi32>
    %gather3A_763 = tpu.dynamic_gather %get3A_746[%gather3A_762] in [0] : vector<16xi32>, vector<16xi32> -> vector<16xi32>
    %broadcast_in_dim3A_764 = vector.shape_cast %and3A_18 : vector<16xi32> to vector<16x1xi32>
    %gather3A_765 = vector.shape_cast %broadcast_in_dim3A_764 : vector<16x1xi32> to vector<16xi32>
    %gather3A_766 = tpu.dynamic_gather %get3A_749[%gather3A_765] in [0] : vector<16xi32>, vector<16xi32> -> vector<16xi32>
    %select_n3A_767 = arith.select %lt3A_20, %gather3A_763, %gather3A_766 : vector<16xi1>, vector<16xi32>
    %swap3A_768 = arith.constant 416 : index
    %swap3A_769 = tpu.vector_load %arg9[%swap3A_768] {strides = array<i32>} : memref<512xi32, #tpu.memory_space<vmem>>, vector<16xi32>,
    %swap3A_770 = vector.shape_cast %swap3A_769 : vector<16xi32> to vector<16xi32>
    %swap3A_771 = vector.shape_cast %select_n3A_767 : vector<16xi32> to vector<16xi32>
    tpu.vector_store %arg9[%swap3A_768], %swap3A_771 {strides = array<i32>} : memref<512xi32, #tpu.memory_space<vmem>>, vector<16xi32>,
    %get3A_772 = arith.constant 864 : index
    %get3A_773 = tpu.vector_load %arg7[%get3A_772] {strides = array<i32>} : memref<1024xi32, #tpu.memory_space<vmem>>, vector<16xi32>,
    %get3A_774 = vector.shape_cast %get3A_773 : vector<16xi32> to vector<16xi32>
    %get3A_775 = arith.constant 880 : index
    %get3A_776 = tpu.vector_load %arg7[%get3A_775] {strides = array<i32>} : memref<1024xi32, #tpu.memory_space<vmem>>, vector<16xi32>,
    %get3A_777 = vector.shape_cast %get3A_776 : vector<16xi32> to vector<16xi32>
    %broadcast_in_dim3A_778 = vector.shape_cast %and3A_9 : vector<16xi32> to vector<16x1xi32>
    %gather3A_779 = vector.shape_cast %broadcast_in_dim3A_778 : vector<16x1xi32> to vector<16xi32>
    %gather3A_780 = tpu.dynamic_gather %get3A_774[%gather3A_779] in [0] : vector<16xi32>, vector<16xi32> -> vector<16xi32>
    %broadcast_in_dim3A_781 = vector.shape_cast %and3A_9 : vector<16xi32> to vector<16x1xi32>
    %gather3A_782 = vector.shape_cast %broadcast_in_dim3A_781 : vector<16x1xi32> to vector<16xi32>
    %gather3A_783 = tpu.dynamic_gather %get3A_777[%gather3A_782] in [0] : vector<16xi32>, vector<16xi32> -> vector<16xi32>
    %select_n3A_784 = arith.select %lt3A_20, %gather3A_780, %gather3A_783 : vector<16xi1>, vector<16xi32>
    %swap3A_785 = arith.constant 432 : index
    %swap3A_786 = tpu.vector_load %arg8[%swap3A_785] {strides = array<i32>} : memref<512xi32, #tpu.memory_space<vmem>>, vector<16xi32>,
    %swap3A_787 = vector.shape_cast %swap3A_786 : vector<16xi32> to vector<16xi32>
    %swap3A_788 = vector.shape_cast %select_n3A_784 : vector<16xi32> to vector<16xi32>
    tpu.vector_store %arg8[%swap3A_785], %swap3A_788 {strides = array<i32>} : memref<512xi32, #tpu.memory_space<vmem>>, vector<16xi32>,
    %broadcast_in_dim3A_789 = vector.shape_cast %and3A_18 : vector<16xi32> to vector<16x1xi32>
    %gather3A_790 = vector.shape_cast %broadcast_in_dim3A_789 : vector<16x1xi32> to vector<16xi32>
    %gather3A_791 = tpu.dynamic_gather %get3A_774[%gather3A_790] in [0] : vector<16xi32>, vector<16xi32> -> vector<16xi32>
    %broadcast_in_dim3A_792 = vector.shape_cast %and3A_18 : vector<16xi32> to vector<16x1xi32>
    %gather3A_793 = vector.shape_cast %broadcast_in_dim3A_792 : vector<16x1xi32> to vector<16xi32>
    %gather3A_794 = tpu.dynamic_gather %get3A_777[%gather3A_793] in [0] : vector<16xi32>, vector<16xi32> -> vector<16xi32>
    %select_n3A_795 = arith.select %lt3A_20, %gather3A_791, %gather3A_794 : vector<16xi1>, vector<16xi32>
    %swap3A_796 = arith.constant 432 : index
    %swap3A_797 = tpu.vector_load %arg9[%swap3A_796] {strides = array<i32>} : memref<512xi32, #tpu.memory_space<vmem>>, vector<16xi32>,
    %swap3A_798 = vector.shape_cast %swap3A_797 : vector<16xi32> to vector<16xi32>
    %swap3A_799 = vector.shape_cast %select_n3A_795 : vector<16xi32> to vector<16xi32>
    tpu.vector_store %arg9[%swap3A_796], %swap3A_799 {strides = array<i32>} : memref<512xi32, #tpu.memory_space<vmem>>, vector<16xi32>,
    %get3A_800 = arith.constant 896 : index
    %get3A_801 = tpu.vector_load %arg7[%get3A_800] {strides = array<i32>} : memref<1024xi32, #tpu.memory_space<vmem>>, vector<16xi32>,
    %get3A_802 = vector.shape_cast %get3A_801 : vector<16xi32> to vector<16xi32>
    %get3A_803 = arith.constant 912 : index
    %get3A_804 = tpu.vector_load %arg7[%get3A_803] {strides = array<i32>} : memref<1024xi32, #tpu.memory_space<vmem>>, vector<16xi32>,
    %get3A_805 = vector.shape_cast %get3A_804 : vector<16xi32> to vector<16xi32>
    %broadcast_in_dim3A_806 = vector.shape_cast %and3A_9 : vector<16xi32> to vector<16x1xi32>
    %gather3A_807 = vector.shape_cast %broadcast_in_dim3A_806 : vector<16x1xi32> to vector<16xi32>
    %gather3A_808 = tpu.dynamic_gather %get3A_802[%gather3A_807] in [0] : vector<16xi32>, vector<16xi32> -> vector<16xi32>
    %broadcast_in_dim3A_809 = vector.shape_cast %and3A_9 : vector<16xi32> to vector<16x1xi32>
    %gather3A_810 = vector.shape_cast %broadcast_in_dim3A_809 : vector<16x1xi32> to vector<16xi32>
    %gather3A_811 = tpu.dynamic_gather %get3A_805[%gather3A_810] in [0] : vector<16xi32>, vector<16xi32> -> vector<16xi32>
    %select_n3A_812 = arith.select %lt3A_20, %gather3A_808, %gather3A_811 : vector<16xi1>, vector<16xi32>
    %swap3A_813 = arith.constant 448 : index
    %swap3A_814 = tpu.vector_load %arg8[%swap3A_813] {strides = array<i32>} : memref<512xi32, #tpu.memory_space<vmem>>, vector<16xi32>,
    %swap3A_815 = vector.shape_cast %swap3A_814 : vector<16xi32> to vector<16xi32>
    %swap3A_816 = vector.shape_cast %select_n3A_812 : vector<16xi32> to vector<16xi32>
    tpu.vector_store %arg8[%swap3A_813], %swap3A_816 {strides = array<i32>} : memref<512xi32, #tpu.memory_space<vmem>>, vector<16xi32>,
    %broadcast_in_dim3A_817 = vector.shape_cast %and3A_18 : vector<16xi32> to vector<16x1xi32>
    %gather3A_818 = vector.shape_cast %broadcast_in_dim3A_817 : vector<16x1xi32> to vector<16xi32>
    %gather3A_819 = tpu.dynamic_gather %get3A_802[%gather3A_818] in [0] : vector<16xi32>, vector<16xi32> -> vector<16xi32>
    %broadcast_in_dim3A_820 = vector.shape_cast %and3A_18 : vector<16xi32> to vector<16x1xi32>
    %gather3A_821 = vector.shape_cast %broadcast_in_dim3A_820 : vector<16x1xi32> to vector<16xi32>
    %gather3A_822 = tpu.dynamic_gather %get3A_805[%gather3A_821] in [0] : vector<16xi32>, vector<16xi32> -> vector<16xi32>
    %select_n3A_823 = arith.select %lt3A_20, %gather3A_819, %gather3A_822 : vector<16xi1>, vector<16xi32>
    %swap3A_824 = arith.constant 448 : index
    %swap3A_825 = tpu.vector_load %arg9[%swap3A_824] {strides = array<i32>} : memref<512xi32, #tpu.memory_space<vmem>>, vector<16xi32>,
    %swap3A_826 = vector.shape_cast %swap3A_825 : vector<16xi32> to vector<16xi32>
    %swap3A_827 = vector.shape_cast %select_n3A_823 : vector<16xi32> to vector<16xi32>
    tpu.vector_store %arg9[%swap3A_824], %swap3A_827 {strides = array<i32>} : memref<512xi32, #tpu.memory_space<vmem>>, vector<16xi32>,
    %get3A_828 = arith.constant 928 : index
    %get3A_829 = tpu.vector_load %arg7[%get3A_828] {strides = array<i32>} : memref<1024xi32, #tpu.memory_space<vmem>>, vector<16xi32>,
    %get3A_830 = vector.shape_cast %get3A_829 : vector<16xi32> to vector<16xi32>
    %get3A_831 = arith.constant 944 : index
    %get3A_832 = tpu.vector_load %arg7[%get3A_831] {strides = array<i32>} : memref<1024xi32, #tpu.memory_space<vmem>>, vector<16xi32>,
    %get3A_833 = vector.shape_cast %get3A_832 : vector<16xi32> to vector<16xi32>
    %broadcast_in_dim3A_834 = vector.shape_cast %and3A_9 : vector<16xi32> to vector<16x1xi32>
    %gather3A_835 = vector.shape_cast %broadcast_in_dim3A_834 : vector<16x1xi32> to vector<16xi32>
    %gather3A_836 = tpu.dynamic_gather %get3A_830[%gather3A_835] in [0] : vector<16xi32>, vector<16xi32> -> vector<16xi32>
    %broadcast_in_dim3A_837 = vector.shape_cast %and3A_9 : vector<16xi32> to vector<16x1xi32>
    %gather3A_838 = vector.shape_cast %broadcast_in_dim3A_837 : vector<16x1xi32> to vector<16xi32>
    %gather3A_839 = tpu.dynamic_gather %get3A_833[%gather3A_838] in [0] : vector<16xi32>, vector<16xi32> -> vector<16xi32>
    %select_n3A_840 = arith.select %lt3A_20, %gather3A_836, %gather3A_839 : vector<16xi1>, vector<16xi32>
    %swap3A_841 = arith.constant 464 : index
    %swap3A_842 = tpu.vector_load %arg8[%swap3A_841] {strides = array<i32>} : memref<512xi32, #tpu.memory_space<vmem>>, vector<16xi32>,
    %swap3A_843 = vector.shape_cast %swap3A_842 : vector<16xi32> to vector<16xi32>
    %swap3A_844 = vector.shape_cast %select_n3A_840 : vector<16xi32> to vector<16xi32>
    tpu.vector_store %arg8[%swap3A_841], %swap3A_844 {strides = array<i32>} : memref<512xi32, #tpu.memory_space<vmem>>, vector<16xi32>,
    %broadcast_in_dim3A_845 = vector.shape_cast %and3A_18 : vector<16xi32> to vector<16x1xi32>
    %gather3A_846 = vector.shape_cast %broadcast_in_dim3A_845 : vector<16x1xi32> to vector<16xi32>
    %gather3A_847 = tpu.dynamic_gather %get3A_830[%gather3A_846] in [0] : vector<16xi32>, vector<16xi32> -> vector<16xi32>
    %broadcast_in_dim3A_848 = vector.shape_cast %and3A_18 : vector<16xi32> to vector<16x1xi32>
    %gather3A_849 = vector.shape_cast %broadcast_in_dim3A_848 : vector<16x1xi32> to vector<16xi32>
    %gather3A_850 = tpu.dynamic_gather %get3A_833[%gather3A_849] in [0] : vector<16xi32>, vector<16xi32> -> vector<16xi32>
    %select_n3A_851 = arith.select %lt3A_20, %gather3A_847, %gather3A_850 : vector<16xi1>, vector<16xi32>
    %swap3A_852 = arith.constant 464 : index
    %swap3A_853 = tpu.vector_load %arg9[%swap3A_852] {strides = array<i32>} : memref<512xi32, #tpu.memory_space<vmem>>, vector<16xi32>,
    %swap3A_854 = vector.shape_cast %swap3A_853 : vector<16xi32> to vector<16xi32>
    %swap3A_855 = vector.shape_cast %select_n3A_851 : vector<16xi32> to vector<16xi32>
    tpu.vector_store %arg9[%swap3A_852], %swap3A_855 {strides = array<i32>} : memref<512xi32, #tpu.memory_space<vmem>>, vector<16xi32>,
    %get3A_856 = arith.constant 960 : index
    %get3A_857 = tpu.vector_load %arg7[%get3A_856] {strides = array<i32>} : memref<1024xi32, #tpu.memory_space<vmem>>, vector<16xi32>,
    %get3A_858 = vector.shape_cast %get3A_857 : vector<16xi32> to vector<16xi32>
    %get3A_859 = arith.constant 976 : index
    %get3A_860 = tpu.vector_load %arg7[%get3A_859] {strides = array<i32>} : memref<1024xi32, #tpu.memory_space<vmem>>, vector<16xi32>,
    %get3A_861 = vector.shape_cast %get3A_860 : vector<16xi32> to vector<16xi32>
    %broadcast_in_dim3A_862 = vector.shape_cast %and3A_9 : vector<16xi32> to vector<16x1xi32>
    %gather3A_863 = vector.shape_cast %broadcast_in_dim3A_862 : vector<16x1xi32> to vector<16xi32>
    %gather3A_864 = tpu.dynamic_gather %get3A_858[%gather3A_863] in [0] : vector<16xi32>, vector<16xi32> -> vector<16xi32>
    %broadcast_in_dim3A_865 = vector.shape_cast %and3A_9 : vector<16xi32> to vector<16x1xi32>
    %gather3A_866 = vector.shape_cast %broadcast_in_dim3A_865 : vector<16x1xi32> to vector<16xi32>
    %gather3A_867 = tpu.dynamic_gather %get3A_861[%gather3A_866] in [0] : vector<16xi32>, vector<16xi32> -> vector<16xi32>
    %select_n3A_868 = arith.select %lt3A_20, %gather3A_864, %gather3A_867 : vector<16xi1>, vector<16xi32>
    %swap3A_869 = arith.constant 480 : index
    %swap3A_870 = tpu.vector_load %arg8[%swap3A_869] {strides = array<i32>} : memref<512xi32, #tpu.memory_space<vmem>>, vector<16xi32>,
    %swap3A_871 = vector.shape_cast %swap3A_870 : vector<16xi32> to vector<16xi32>
    %swap3A_872 = vector.shape_cast %select_n3A_868 : vector<16xi32> to vector<16xi32>
    tpu.vector_store %arg8[%swap3A_869], %swap3A_872 {strides = array<i32>} : memref<512xi32, #tpu.memory_space<vmem>>, vector<16xi32>,
    %broadcast_in_dim3A_873 = vector.shape_cast %and3A_18 : vector<16xi32> to vector<16x1xi32>
    %gather3A_874 = vector.shape_cast %broadcast_in_dim3A_873 : vector<16x1xi32> to vector<16xi32>
    %gather3A_875 = tpu.dynamic_gather %get3A_858[%gather3A_874] in [0] : vector<16xi32>, vector<16xi32> -> vector<16xi32>
    %broadcast_in_dim3A_876 = vector.shape_cast %and3A_18 : vector<16xi32> to vector<16x1xi32>
    %gather3A_877 = vector.shape_cast %broadcast_in_dim3A_876 : vector<16x1xi32> to vector<16xi32>
    %gather3A_878 = tpu.dynamic_gather %get3A_861[%gather3A_877] in [0] : vector<16xi32>, vector<16xi32> -> vector<16xi32>
    %select_n3A_879 = arith.select %lt3A_20, %gather3A_875, %gather3A_878 : vector<16xi1>, vector<16xi32>
    %swap3A_880 = arith.constant 480 : index
    %swap3A_881 = tpu.vector_load %arg9[%swap3A_880] {strides = array<i32>} : memref<512xi32, #tpu.memory_space<vmem>>, vector<16xi32>,
    %swap3A_882 = vector.shape_cast %swap3A_881 : vector<16xi32> to vector<16xi32>
    %swap3A_883 = vector.shape_cast %select_n3A_879 : vector<16xi32> to vector<16xi32>
    tpu.vector_store %arg9[%swap3A_880], %swap3A_883 {strides = array<i32>} : memref<512xi32, #tpu.memory_space<vmem>>, vector<16xi32>,
    %get3A_884 = arith.constant 992 : index
    %get3A_885 = tpu.vector_load %arg7[%get3A_884] {strides = array<i32>} : memref<1024xi32, #tpu.memory_space<vmem>>, vector<16xi32>,
    %get3A_886 = vector.shape_cast %get3A_885 : vector<16xi32> to vector<16xi32>
    %get3A_887 = arith.constant 1008 : index
    %get3A_888 = tpu.vector_load %arg7[%get3A_887] {strides = array<i32>} : memref<1024xi32, #tpu.memory_space<vmem>>, vector<16xi32>,
    %get3A_889 = vector.shape_cast %get3A_888 : vector<16xi32> to vector<16xi32>
    %broadcast_in_dim3A_890 = vector.shape_cast %and3A_9 : vector<16xi32> to vector<16x1xi32>
    %gather3A_891 = vector.shape_cast %broadcast_in_dim3A_890 : vector<16x1xi32> to vector<16xi32>
    %gather3A_892 = tpu.dynamic_gather %get3A_886[%gather3A_891] in [0] : vector<16xi32>, vector<16xi32> -> vector<16xi32>
    %broadcast_in_dim3A_893 = vector.shape_cast %and3A_9 : vector<16xi32> to vector<16x1xi32>
    %gather3A_894 = vector.shape_cast %broadcast_in_dim3A_893 : vector<16x1xi32> to vector<16xi32>
    %gather3A_895 = tpu.dynamic_gather %get3A_889[%gather3A_894] in [0] : vector<16xi32>, vector<16xi32> -> vector<16xi32>
    %select_n3A_896 = arith.select %lt3A_20, %gather3A_892, %gather3A_895 : vector<16xi1>, vector<16xi32>
    %swap3A_897 = arith.constant 496 : index
    %swap3A_898 = tpu.vector_load %arg8[%swap3A_897] {strides = array<i32>} : memref<512xi32, #tpu.memory_space<vmem>>, vector<16xi32>,
    %swap3A_899 = vector.shape_cast %swap3A_898 : vector<16xi32> to vector<16xi32>
    %swap3A_900 = vector.shape_cast %select_n3A_896 : vector<16xi32> to vector<16xi32>
    tpu.vector_store %arg8[%swap3A_897], %swap3A_900 {strides = array<i32>} : memref<512xi32, #tpu.memory_space<vmem>>, vector<16xi32>,
    %broadcast_in_dim3A_901 = vector.shape_cast %and3A_18 : vector<16xi32> to vector<16x1xi32>
    %gather3A_902 = vector.shape_cast %broadcast_in_dim3A_901 : vector<16x1xi32> to vector<16xi32>
    %gather3A_903 = tpu.dynamic_gather %get3A_886[%gather3A_902] in [0] : vector<16xi32>, vector<16xi32> -> vector<16xi32>
    %broadcast_in_dim3A_904 = vector.shape_cast %and3A_18 : vector<16xi32> to vector<16x1xi32>
    %gather3A_905 = vector.shape_cast %broadcast_in_dim3A_904 : vector<16x1xi32> to vector<16xi32>
    %gather3A_906 = tpu.dynamic_gather %get3A_889[%gather3A_905] in [0] : vector<16xi32>, vector<16xi32> -> vector<16xi32>
    %select_n3A_907 = arith.select %lt3A_20, %gather3A_903, %gather3A_906 : vector<16xi1>, vector<16xi32>
    %swap3A_908 = arith.constant 496 : index
    %swap3A_909 = tpu.vector_load %arg9[%swap3A_908] {strides = array<i32>} : memref<512xi32, #tpu.memory_space<vmem>>, vector<16xi32>,
    %swap3A_910 = vector.shape_cast %swap3A_909 : vector<16xi32> to vector<16xi32>
    %swap3A_911 = vector.shape_cast %select_n3A_907 : vector<16xi32> to vector<16xi32>
    tpu.vector_store %arg9[%swap3A_908], %swap3A_911 {strides = array<i32>} : memref<512xi32, #tpu.memory_space<vmem>>, vector<16xi32>,
    %dma_start3A = arith.constant 0 : i32
    %dma_start3A_912 = arith.constant 0 : i32
    %dma_start3A_913 = tpu.memref_slice %arg3[%dma_start3A, %dma_start3A_912] : memref<1000000x16xf32, #tpu.memory_space<hbm>> -> memref<1000000x16xf32, #tpu.memory_space<hbm>>
    tpu.enqueue_indirect_dma source(%dma_start3A_913 : memref<1000000x16xf32, #tpu.memory_space<hbm>>) target(%arg10 : memref<512x16xf32, #tpu.memory_space<vmem>>) offsets(%arg8 : memref<512xi32, #tpu.memory_space<vmem>>) semaphore(%arg12 : memref<!tpu.dma_semaphore, #tpu.memory_space<semaphore_mem>>)
    %dma_start3A_914 = arith.constant 0 : i32
    %dma_start3A_915 = arith.constant 0 : i32
    %dma_start3A_916 = tpu.memref_slice %arg3[%dma_start3A_914, %dma_start3A_915] : memref<1000000x16xf32, #tpu.memory_space<hbm>> -> memref<1000000x16xf32, #tpu.memory_space<hbm>>
    tpu.enqueue_indirect_dma source(%dma_start3A_916 : memref<1000000x16xf32, #tpu.memory_space<hbm>>) target(%arg11 : memref<512x16xf32, #tpu.memory_space<vmem>>) offsets(%arg9 : memref<512xi32, #tpu.memory_space<vmem>>) semaphore(%arg13 : memref<!tpu.dma_semaphore, #tpu.memory_space<semaphore_mem>>)
    %dma_wait3A = arith.constant 0 : i32
    %dma_wait3A_917 = arith.constant 0 : i32
    %dma_wait3A_918 = tpu.memref_slice %arg3[%dma_wait3A, %dma_wait3A_917] : memref<1000000x16xf32, #tpu.memory_space<hbm>> -> memref<1000000x16xf32, #tpu.memory_space<hbm>>
    tpu.wait_indirect_dma semaphore(%arg12 : memref<!tpu.dma_semaphore, #tpu.memory_space<semaphore_mem>>) src(%dma_wait3A_918 : memref<1000000x16xf32, #tpu.memory_space<hbm>>) dst(%arg10 : memref<512x16xf32, #tpu.memory_space<vmem>>)
    %dma_start3A_919 = arith.constant 0 : i32
    %dma_start3A_920 = tpu.memref_slice %arg4[%multiple_of3A, %dma_start3A_919] : memref<16384x16xf32, #tpu.memory_space<hbm>> -> memref<512x16xf32, #tpu.memory_space<hbm>>
    %dma_start3A_921 = arith.constant 0 : i32
    %dma_start3A_922 = tpu.memref_slice %arg4[%multiple_of3A, %dma_start3A_921] : memref<16384x16xf32, #tpu.memory_space<hbm>> -> memref<512x16xf32, #tpu.memory_space<hbm>>
    tpu.enqueue_dma source(%arg10 : memref<512x16xf32, #tpu.memory_space<vmem>>) target(%dma_start3A_922 : memref<512x16xf32, #tpu.memory_space<hbm>>) target_semaphore(%arg14 : memref<!tpu.dma_semaphore, #tpu.memory_space<semaphore_mem>>)
    %dma_wait3A_923 = arith.constant 0 : i32
    %dma_wait3A_924 = arith.constant 0 : i32
    %dma_wait3A_925 = tpu.memref_slice %arg3[%dma_wait3A_923, %dma_wait3A_924] : memref<1000000x16xf32, #tpu.memory_space<hbm>> -> memref<1000000x16xf32, #tpu.memory_space<hbm>>
    tpu.wait_indirect_dma semaphore(%arg13 : memref<!tpu.dma_semaphore, #tpu.memory_space<semaphore_mem>>) src(%dma_wait3A_925 : memref<1000000x16xf32, #tpu.memory_space<hbm>>) dst(%arg11 : memref<512x16xf32, #tpu.memory_space<vmem>>)
    %dma_start3A_926 = arith.constant 0 : i32
    %dma_start3A_927 = tpu.memref_slice %arg5[%multiple_of3A, %dma_start3A_926] : memref<16384x16xf32, #tpu.memory_space<hbm>> -> memref<512x16xf32, #tpu.memory_space<hbm>>
    %dma_start3A_928 = arith.constant 0 : i32
    %dma_start3A_929 = tpu.memref_slice %arg5[%multiple_of3A, %dma_start3A_928] : memref<16384x16xf32, #tpu.memory_space<hbm>> -> memref<512x16xf32, #tpu.memory_space<hbm>>
    tpu.enqueue_dma source(%arg11 : memref<512x16xf32, #tpu.memory_space<vmem>>) target(%dma_start3A_929 : memref<512x16xf32, #tpu.memory_space<hbm>>) target_semaphore(%arg14 : memref<!tpu.dma_semaphore, #tpu.memory_space<semaphore_mem>>)
    %add3A_930 = arith.constant 1 : i32
    %add3A_931 = arith.addi %multiple_of3A, %add3A_930 : i32
    %dma_start3A_932 = arith.constant 0 : i32
    %dma_start3A_933 = arith.constant 0 : i32
    %dma_start3A_934 = tpu.memref_slice %arg11[%dma_start3A_932, %dma_start3A_933] : memref<512x16xf32, #tpu.memory_space<vmem>> -> memref<511x16xf32, #tpu.memory_space<vmem>>
    %dma_start3A_935 = arith.constant 0 : i32
    %dma_start3A_936 = tpu.memref_slice %arg6[%add3A_931, %dma_start3A_935] : memref<16384x16xf32, #tpu.memory_space<hbm>> -> memref<511x16xf32, #tpu.memory_space<hbm>>
    %dma_start3A_937 = arith.constant 0 : i32
    %dma_start3A_938 = tpu.memref_slice %arg6[%add3A_931, %dma_start3A_937] : memref<16384x16xf32, #tpu.memory_space<hbm>> -> memref<511x16xf32, #tpu.memory_space<hbm>>
    %dma_start3A_939 = arith.constant 0 : i32
    %dma_start3A_940 = arith.constant 0 : i32
    %dma_start3A_941 = tpu.memref_slice %arg11[%dma_start3A_939, %dma_start3A_940] : memref<512x16xf32, #tpu.memory_space<vmem>> -> memref<511x16xf32, #tpu.memory_space<vmem>>
    tpu.enqueue_dma source(%dma_start3A_941 : memref<511x16xf32, #tpu.memory_space<vmem>>) target(%dma_start3A_938 : memref<511x16xf32, #tpu.memory_space<hbm>>) target_semaphore(%arg14 : memref<!tpu.dma_semaphore, #tpu.memory_space<semaphore_mem>>)
    %add3A_942 = arith.constant 512 : i32
    %add3A_943 = arith.addi %multiple_of3A, %add3A_942 : i32
    %rem3A = arith.constant 16384 : i32
    %rem3A_944 = arith.remsi %add3A_943, %rem3A : i32
    %dma_start3A_945 = arith.constant 511 : i32
    %dma_start3A_946 = arith.constant 0 : i32
    %dma_start3A_947 = tpu.memref_slice %arg11[%dma_start3A_945, %dma_start3A_946] : memref<512x16xf32, #tpu.memory_space<vmem>> -> memref<1x16xf32, #tpu.memory_space<vmem>>
    %dma_start3A_948 = arith.constant 0 : i32
    %dma_start3A_949 = tpu.memref_slice %arg6[%rem3A_944, %dma_start3A_948] : memref<16384x16xf32, #tpu.memory_space<hbm>> -> memref<1x16xf32, #tpu.memory_space<hbm>>
    %dma_start3A_950 = arith.constant 0 : i32
    %dma_start3A_951 = tpu.memref_slice %arg6[%rem3A_944, %dma_start3A_950] : memref<16384x16xf32, #tpu.memory_space<hbm>> -> memref<1x16xf32, #tpu.memory_space<hbm>>
    %dma_start3A_952 = arith.constant 511 : i32
    %dma_start3A_953 = arith.constant 0 : i32
    %dma_start3A_954 = tpu.memref_slice %arg11[%dma_start3A_952, %dma_start3A_953] : memref<512x16xf32, #tpu.memory_space<vmem>> -> memref<1x16xf32, #tpu.memory_space<vmem>>
    tpu.enqueue_dma source(%dma_start3A_954 : memref<1x16xf32, #tpu.memory_space<vmem>>) target(%dma_start3A_951 : memref<1x16xf32, #tpu.memory_space<hbm>>) target_semaphore(%arg14 : memref<!tpu.dma_semaphore, #tpu.memory_space<semaphore_mem>>)
    %dma_wait3A_955 = arith.constant 0 : i32
    %dma_wait3A_956 = tpu.memref_slice %arg4[%multiple_of3A, %dma_wait3A_955] : memref<16384x16xf32, #tpu.memory_space<hbm>> -> memref<512x16xf32, #tpu.memory_space<hbm>>
    %dma_wait3A_957 = arith.constant 0 : i32
    %dma_wait3A_958 = tpu.memref_slice %arg4[%multiple_of3A, %dma_wait3A_957] : memref<16384x16xf32, #tpu.memory_space<hbm>> -> memref<512x16xf32, #tpu.memory_space<hbm>>
    tpu.wait_dma2 semaphore(%arg14 : memref<!tpu.dma_semaphore, #tpu.memory_space<semaphore_mem>>) src(%arg10 : memref<512x16xf32, #tpu.memory_space<vmem>>) dst(%dma_wait3A_958 : memref<512x16xf32, #tpu.memory_space<hbm>>)
    %dma_wait3A_959 = arith.constant 0 : i32
    %dma_wait3A_960 = tpu.memref_slice %arg5[%multiple_of3A, %dma_wait3A_959] : memref<16384x16xf32, #tpu.memory_space<hbm>> -> memref<512x16xf32, #tpu.memory_space<hbm>>
    %dma_wait3A_961 = arith.constant 0 : i32
    %dma_wait3A_962 = tpu.memref_slice %arg5[%multiple_of3A, %dma_wait3A_961] : memref<16384x16xf32, #tpu.memory_space<hbm>> -> memref<512x16xf32, #tpu.memory_space<hbm>>
    tpu.wait_dma2 semaphore(%arg14 : memref<!tpu.dma_semaphore, #tpu.memory_space<semaphore_mem>>) src(%arg11 : memref<512x16xf32, #tpu.memory_space<vmem>>) dst(%dma_wait3A_962 : memref<512x16xf32, #tpu.memory_space<hbm>>)
    %dma_wait3A_963 = arith.constant 0 : i32
    %dma_wait3A_964 = arith.constant 0 : i32
    %dma_wait3A_965 = tpu.memref_slice %arg11[%dma_wait3A_963, %dma_wait3A_964] : memref<512x16xf32, #tpu.memory_space<vmem>> -> memref<511x16xf32, #tpu.memory_space<vmem>>
    %dma_wait3A_966 = arith.constant 0 : i32
    %dma_wait3A_967 = tpu.memref_slice %arg6[%add3A_931, %dma_wait3A_966] : memref<16384x16xf32, #tpu.memory_space<hbm>> -> memref<511x16xf32, #tpu.memory_space<hbm>>
    %dma_wait3A_968 = arith.constant 0 : i32
    %dma_wait3A_969 = tpu.memref_slice %arg6[%add3A_931, %dma_wait3A_968] : memref<16384x16xf32, #tpu.memory_space<hbm>> -> memref<511x16xf32, #tpu.memory_space<hbm>>
    %dma_wait3A_970 = arith.constant 0 : i32
    %dma_wait3A_971 = arith.constant 0 : i32
    %dma_wait3A_972 = tpu.memref_slice %arg11[%dma_wait3A_970, %dma_wait3A_971] : memref<512x16xf32, #tpu.memory_space<vmem>> -> memref<511x16xf32, #tpu.memory_space<vmem>>
    tpu.wait_dma2 semaphore(%arg14 : memref<!tpu.dma_semaphore, #tpu.memory_space<semaphore_mem>>) src(%dma_wait3A_972 : memref<511x16xf32, #tpu.memory_space<vmem>>) dst(%dma_wait3A_969 : memref<511x16xf32, #tpu.memory_space<hbm>>)
    %dma_wait3A_973 = arith.constant 511 : i32
    %dma_wait3A_974 = arith.constant 0 : i32
    %dma_wait3A_975 = tpu.memref_slice %arg11[%dma_wait3A_973, %dma_wait3A_974] : memref<512x16xf32, #tpu.memory_space<vmem>> -> memref<1x16xf32, #tpu.memory_space<vmem>>
    %dma_wait3A_976 = arith.constant 0 : i32
    %dma_wait3A_977 = tpu.memref_slice %arg6[%rem3A_944, %dma_wait3A_976] : memref<16384x16xf32, #tpu.memory_space<hbm>> -> memref<1x16xf32, #tpu.memory_space<hbm>>
    %dma_wait3A_978 = arith.constant 0 : i32
    %dma_wait3A_979 = tpu.memref_slice %arg6[%rem3A_944, %dma_wait3A_978] : memref<16384x16xf32, #tpu.memory_space<hbm>> -> memref<1x16xf32, #tpu.memory_space<hbm>>
    %dma_wait3A_980 = arith.constant 511 : i32
    %dma_wait3A_981 = arith.constant 0 : i32
    %dma_wait3A_982 = tpu.memref_slice %arg11[%dma_wait3A_980, %dma_wait3A_981] : memref<512x16xf32, #tpu.memory_space<vmem>> -> memref<1x16xf32, #tpu.memory_space<vmem>>
    tpu.wait_dma2 semaphore(%arg14 : memref<!tpu.dma_semaphore, #tpu.memory_space<semaphore_mem>>) src(%dma_wait3A_982 : memref<1x16xf32, #tpu.memory_space<vmem>>) dst(%dma_wait3A_979 : memref<1x16xf32, #tpu.memory_space<hbm>>)
    return
  }
}

</mosaic_0001>

<sc_bundles>
// kernel: kernel.3.cloned.1.call-start
scs
__scs_entry_jumppad:
0x0: {  	(pc) =	sbr.rel $0x88, $3  }
0x1: {  	(tag) =	ssettag $0x0;
	lr =	simm.s32 $0x1  }
0x2: {  	[smem:$0x3F9F] =	sst lr;
	_ =	strace $0xD0000000  }
0x3: {  	_ = 	snop  }
0x4: {  	_ = 	snop  }
0x5: {  	_ = 	snop  }
0x6: {  	_ = 	snop  }
0x7: {  	_ = 	snop  }
__scs_overlays_trampoline_lowered:
0x8: {  	[smem:$0x3FAE] =	sst s0  }
0x9: {  	[smem:$0x3FAF] =	sst s1  }
0xa: {  	[smem:$0x3FB0] =	sst s2  }
0xb: {  	[smem:$0x3FB1] =	sst s3  }
0xc: {  	[smem:$0x3FB2] =	sst s4  }
0xd: {  	[smem:$0x3FB3] =	sst s5  }
0xe: {  	[smem:$0x3FB4] =	sst s6  }
0xf: {  	[smem:$0x3FB5] =	sst s7  }
0x10: {  	[smem:$0x3FB6] =	sst s8  }
0x11: {  	[smem:$0x3FB7] =	sst s9;
	s0 =	simm.s32 @!p0 $0x0  }
0x12: {  	s1 =	sld [smem:$0x3F9D];
	s0 =	simm.s32 @p0 $0x1  }
0x13: {  	[smem:$0x3FB8] =	sst s0;
	s0 =	simm.s32 @!p1 $0x0  }
0x14: {  	s2 =	sld [smem:$0x3F9C];
	s0 =	simm.s32 @p1 $0x1  }
0x15: {  	[smem:$0x3FB9] =	sst s0;
	s0 =	simm.s32 @!p2 $0x0  }
0x16: {  	s3 =	sld [smem:$0x3FDB];
	s0 =	simm.s32 @p2 $0x1  }
0x17: {  	s4 =	simm.s32 $0x1BF5;
	[smem:$0x3FBB] =	sst s0  }
0x18: {  	s0 =	sld [smem:$0x3F9E];
	_ =	swait.ge [sflag:s4], $0x0  }
0x19: {  	s7 =	sld [smem:$0x3F9F]  }
0x1a: {  	s8 =	sadd.s32 $0xFFFFE003, lr  }
0x1b: {  	s9 =	sadd.s32 $0xFFFFFEF7, lr;
	s5 =	simm.s32 $0xFFFFFFFF;
	p2 =	slt.u32 s8, $0xFFFFF086  }
0x1c: {  	p1 =	slt.u32 s9, $0xF7A;
	s5 =	simm.s32 @!p2 $0x0  }
0x1d: {  	s5 =	simm.s32 @p1 $0x1;
	p0 =	seq.s32 s7, s2  }
0x1e: {  	s7 =	smul.u32 @!p0 $0xF7A, s2;
	p2 =	seq.s32 @!p0 s5, $0x0  }
0x1f: {  	s9 =	smul.u32 $0xF7A, s1;
	s8 =	simm.s32 @!p0 $0x1BF5;
	p2 =	por !p2, p0  }
0x20: {  	[sflag:s8] =	ssyncset.s32 @!p0 $0xFFFFF086;
	s6 =	sadd.s32 @!p0 s3, s7;
	s7 =	simm.s32 @!p0 $0x108  }
0x21: {  	s3 =	sadd.s32 s3, s9;
	s6 =	sadd.s32 @!p0 $0x88, s6;
	s7 =	simm.s32 @p2 $0x1082  }
0x22: {  	[simem:s7], [sflag:s8] =	dma.local @!p0 [hbm:s6], $0xF7A  }
0x23: {  	s9 =	sor.u32 $0xD0000000, s2;
	s6 =	simm.s32 $0x108;
	_ =	swait.ge @!p0 [sflag:s8], $0x0  }
0x24: {  	s3 =	sadd.s32 $0x88, s3;
	s6 =	simm.s32 @!p1 $0x1082;
	[sflag:s4] =	ssyncset.s32 $0xFFFFF086  }
0x25: {  	[simem:s6], [sflag:s4] =	dma.local [hbm:s3], $0xF7A  }
0x26: {  	[smem:$0x3F9F] =	sst s1;
	(tag) =	ssettag s2;
	_ =	strace s9  }
0x27: {  	s1 =	sld [smem:$0x3FAF]  }
0x28: {  	s2 =	sld [smem:$0x3FB0]  }
0x29: {  	s4 =	sld [smem:$0x3FB2]  }
0x2a: {  	p0 =	seq.s32 s5, $0x0;
	s5 =	sld [smem:$0x3FB3]  }
0x2b: {  	s6 =	sld [smem:$0x3FB4]  }
0x2c: {  	s7 =	sld [smem:$0x3FB5]  }
0x2d: {  	s3 =	simm.s32 $0x108;
	s8 =	sld [smem:$0x3FB6]  }
0x2e: {  	s3 =	simm.s32 @!p0 $0x1082;
	s9 =	sld [smem:$0x3FB7]  }
0x2f: {  	lr =	sadd.s32 s0, s3;
	s0 =	sld [smem:$0x3FAE]  }
0x30: {  	s3 =	sld [smem:$0x3FB1]  }
0x31: {  	[smem:$0x3FBA] =	sst s10  }
0x32: {  	s10 =	sld [smem:$0x3FB8];
	_ =	sdelay $0x3  }
0x33: {  	p0 =	seq.s32 s10, $0x1;
	s10 =	sld [smem:$0x3FBA];
	_ =	sdelay $0x3  }
0x34: {  	[smem:$0x3FBA] =	sst s10  }
0x35: {  	s10 =	sld [smem:$0x3FB9];
	_ =	sdelay $0x3  }
0x36: {  	p1 =	seq.s32 s10, $0x1;
	s10 =	sld [smem:$0x3FBA];
	_ =	sdelay $0x3  }
0x37: {  	[smem:$0x3FBA] =	sst s10  }
0x38: {  	s10 =	sld [smem:$0x3FBB]  }
0x39: {  	_ = 	snop;
	(pc) =	sbr.ind lr, $3  }
0x3a: {  	_ = 	snop  }
0x3b: {  	_ = 	snop  }
0x3c: {  	p2 =	seq.s32 s10, $0x1;
	s10 =	sld [smem:$0x3FBA]  }
0x3d: {  	_ =	shalt  }
0x3e: {  	_ =	shalt  }
0x3f: {  	_ =	shalt  }
0x40: {  	_ =	shalt  }
0x41: {  	_ =	shalt  }
0x42: {  	_ =	shalt  }
0x43: {  	_ =	shalt  }
0x44: {  	_ =	shalt  }
0x45: {  	_ =	shalt  }
0x46: {  	_ =	shalt  }
0x47: {  	_ =	shalt  }
0x48: {  	_ =	shalt  }
0x49: {  	_ =	shalt  }
0x4a: {  	_ =	shalt  }
0x4b: {  	_ =	shalt  }
0x4c: {  	_ =	shalt  }
0x4d: {  	_ =	shalt  }
0x4e: {  	_ =	shalt  }
0x4f: {  	_ =	shalt  }
0x50: {  	_ =	shalt  }
0x51: {  	_ =	shalt  }
0x52: {  	_ =	shalt  }
0x53: {  	_ =	shalt  }
0x54: {  	_ =	shalt  }
0x55: {  	_ =	shalt  }
0x56: {  	_ =	shalt  }
0x57: {  	_ =	shalt  }
0x58: {  	_ =	shalt  }
0x59: {  	_ =	shalt  }
0x5a: {  	_ =	shalt  }
0x5b: {  	_ =	shalt  }
0x5c: {  	_ =	shalt  }
0x5d: {  	_ =	shalt  }
0x5e: {  	_ =	shalt  }
0x5f: {  	_ =	shalt  }
0x60: {  	_ =	shalt  }
0x61: {  	_ =	shalt  }
0x62: {  	_ =	shalt  }
0x63: {  	_ =	shalt  }
0x64: {  	_ =	shalt  }
0x65: {  	_ =	shalt  }
0x66: {  	_ =	shalt  }
0x67: {  	_ =	shalt  }
0x68: {  	_ =	shalt  }
0x69: {  	_ =	shalt  }
0x6a: {  	_ =	shalt  }
0x6b: {  	_ =	shalt  }
0x6c: {  	_ =	shalt  }
0x6d: {  	_ =	shalt  }
0x6e: {  	_ =	shalt  }
0x6f: {  	_ =	shalt  }
0x70: {  	_ =	shalt  }
0x71: {  	_ =	shalt  }
0x72: {  	_ =	shalt  }
0x73: {  	_ =	shalt  }
0x74: {  	_ =	shalt  }
0x75: {  	_ =	shalt  }
0x76: {  	_ =	shalt  }
0x77: {  	_ =	shalt  }
0x78: {  	_ =	shalt  }
0x79: {  	_ =	shalt  }
0x7a: {  	_ =	shalt  }
0x7b: {  	_ =	shalt  }
0x7c: {  	_ =	shalt  }
0x7d: {  	_ =	shalt  }
0x7e: {  	_ =	shalt  }
0x7f: {  	_ =	shalt  }
0x80: {  	_ =	shalt  }
0x81: {  	_ =	shalt  }
0x82: {  	_ =	shalt  }
0x83: {  	_ =	shalt  }
0x84: {  	_ =	shalt  }
0x85: {  	_ =	shalt  }
0x86: {  	_ =	shalt  }
0x87: {  	_ =	shalt  }
.Lfunc_end0:
.L_simem_size_0:
called_computation_lowered:
.L_overlay_start_0:
0x88: {  	s2 =	sld [smem:$0x3FD9]  }
0x89: {  	s3 =	sld [smem:$0x3FFE];
	_ =	sdelay $0x1  }
0x8a: {  	s1 =	srdreg.scid  }
0x8b: {  	s0 =	sand.u32 $0x1, s1  }
0x8c: {  	s14 =	sshll.u32 s0, $0xA;
	s2 =	sadd.s32 s3, s2  }
0x8d: {  	s2 =	sadd.s32 s2, s14  }
0x8e: {  	[smem:$0x3FC6] =	sst s2  }
0x8f: {  	_ = 	snop  }
0x90: {  	s2 =	sld [smem:$0x3FD0];
	_ =	sdelay $0x2  }
0x91: {  	s15 =	simm.s32 $0xA;
	s4 =	simm.s32 $0x10  }
0x92: {  	[smem:s4], [sflag:s15] =	dma.local [hbm:s2], $0x1  }
0x93: {  	_ =	swait.eq [sflag:s15], $0x1  }
0x94: {  	s16 =	sld [smem:$0x10];
	[sflag:s15] =	ssyncset.done $0x0  }
0x95: {  	s17 =	sld [smem:$0x11];
	[sflag:s15] =	ssyncadd.s32 $0xFFFFFFFF  }
0x96: {  	s18 =	sld [smem:$0x12];
	(tm) =	ssettm $0x1  }
0x97: {  	s5 =	sld [smem:$0x3FFB];
	_ =	sdelay $0x3  }
0x98: {  	_ =	strace s5  }
0x99: {  	s5 =	sld [smem:$0x3FFC];
	_ =	sdelay $0x3  }
0x9a: {  	_ =	strace s5  }
0x9b: {  	s5 =	sld [smem:$0x3FFD];
	_ =	sdelay $0x3  }
0x9c: {  	_ =	strace s5  }
0x9d: {  	_ =	strace $0x8FFFFFFF  }
0x9e: {  	s19 =	sld [smem:$0x3FDB];
	_ =	sdelay $0x1  }
0x9f: {  	s6 =	simm.s32 $_scs_section_size  }
0xa0: {  	s7 =	simm.s32 $_size__tile_overlayer_lowered;
	s8 =	simm.s32 $_tile_overlayer_lowered  }
0xa1: {  	s22 =	simm.s32 $0x1BFF;
	s21 =	sshll.u32 s8, $0x1;
	s5 =	sadd.s32 s6, s19  }
0xa2: {  	s9 =	simm.s32 $0x0;
	s20 =	sshll.u32 s7, $0x1;
	s7 =	sadd.s32 s21, s5  }
0xa3: {  	[timem:s9], [sflag:s22] =	dma.local [hbm:s7], s20  }
0xa4: {  	_ =	swait.ge [sflag:s22], s20  }
0xa5: {  	s6 =	ssub.s32 $0x0, s20;
	[sflag:s22] =	ssyncset.done $0x0  }
0xa6: {  	[sflag:s22] =	ssyncadd.s32 s6;
	_ =	sdelay $0x1  }
0xa7: {  	s23 =	simm.s32 $0x1B8B  }
0xa8: {  	_ =	swait.ge [sflag:s23], $0x1  }
0xa9: {  	[sflag:s23] =	ssyncset.done $0x0  }
0xaa: {  	s25 =	simm.s32 $0x1B8E;
	s24 =	sld [smem:$0x3FFE];
	[sflag:s23] =	ssyncadd.s32 $0xFFFFFFFF  }
0xab: {  	s26 =	simm.s32 $execute0_lowered;
	[smem:$0x3FD2] =	sst s25  }
0xac: {  	s7 =	sshll.u32 s26, $0x1;
	_ =	strace $0x80000046;
	[dreg:$0x1] =	wrdreg $0xFFFFFFFF  }
0xad: {  	s28 =	simm.s32 $_size_execute0_lowered;
	s5 =	sadd.s32 s5, s7;
	[dreg:$0x0] =	wrdreg $0x0  }
0xae: {  	s7 =	sshll.u32 s28, $0x1;
	[dreg:$0x2] =	wrdreg s5  }
0xaf: {  	[dreg:$0x3] =	wrdreg s7  }
0xb0: {  	[dreg:$0x4] =	wrdreg $0xC0  }
0xb1: {  	_ =	task [dreg:s9], $0x5FFFF  }
0xb2: {  	[dreg:$0x1] =	wrdreg $0xFFFFFFFF  }
0xb3: {  	[dreg:$0x0] =	wrdreg $0x60  }
0xb4: {  	[dreg:$0x2] =	wrdreg s16  }
0xb5: {  	[dreg:$0x3] =	wrdreg s24  }
0xb6: {  	[dreg:$0x4] =	wrdreg s18  }
0xb7: {  	[dreg:$0x5] =	wrdreg s17  }
0xb8: {  	[dreg:$0x6] =	wrdreg $0x9  }
0xb9: {  	_ =	task.clear_ibuf [dreg:s9], $0x7FFFF;
	_ =	strace $0x90000046  }
0xba: {  	s29 =	simm.s32 $0x9;
	_ =	strace $0x80000048  }
0xbb: {  	_ =	swait.ge [sflag:s29], $0x1  }
0xbc: {  	[sflag:s29] =	ssyncadd.s32 $0xFFFFFFFF  }
0xbd: {  	_ =	strace $0x90000048  }
0xbe: {  	_ =	sfence  }
0xbf: {  	s30 =	sld [smem:$0x0];
	_ =	sdelay $0x2  }
0xc0: {  	s31 =	sshll.u32 s1, $0xD;
	s1 =	sshrl.u32 s1, $0x2  }
0xc1: {  	s3 =	sand.u32 $0x4000, s31;
	s1 =	sadd.s32 s1, s30  }
0xc2: {  	s0 =	sor.u32 s3, s0;
	s1 =	sshll.u32 s1, $0x11  }
0xc3: {  	s0 =	sor.u32 s1, s0  }
0xc4: {  	s0 =	sadd.s32 $0x8F2B, s0  }
0xc5: {  	[sflag:s0] =	ssyncadd.remote.s32 $0x1  }
0xc6: {  	_ =	sfence.sel $0xFFFF  }
0xc7: {  	[dreg:$0x0] =	wrdreg $0xFFFFFFFF;
	(pc) =	sbr.abs _section_cstart, $3  }
0xc8: {  	[dreg:$0x1] =	wrdreg $0xFFFFFFFF  }
0xc9: {  	_ =	task.clear_ibuf [dreg:s9], $0x2FFFF;
	_ =	strace $0x9FFFFFFF  }
0xca: {  	(tm) =	ssettm $0x7FFFFFFF  }
0xcb: {  	_ =	shalt  }
tec
execute0_lowered:
.L_overlay_start_1:
0x0: {  	(tag) =	ssettag $0x1  }
0x1: {  	s4 =	rddreg [dreg:$0x0]  }
0x2: {  	s5 =	rddreg [dreg:$0x1]  }
0x3: {  	s6 =	rddreg [dreg:$0x2]  }
0x4: {  	s7 =	rddreg [dreg:$0x3]  }
0x5: {  	s0 =	rddreg [dreg:$0x4];
	s2 =	simm.s32 $0x0;
	s3 =	srdreg.scid  }
0x6: {  	s1 =	stileid.u32;
	s13 =	simm.s32 $0x800;
	s14 =	simm.s32 $0x600  }
0x7: {  	s15 =	simm.s32 $0x2800;
	s16 =	simm.s32 $0x1;
	s17 =	simm.s32 $0x2  }
0x8: {  	s18 =	simm.s32 $0x47F0;
	s19 =	simm.s32 $0x3;
	[smem:$0x7FF] =	sst s2  }
0x9: {  	s8 =	sand.u32 $0x1, s3;
	s9 =	sshll.u32 s1, $0xA;
	s3 =	sadd.s32 $0xF43200, s5  }
0xa: {  	s26 =	sadd.s32 $0xE00, s5;
	s10 =	sshll.u32 s8, $0x9;
	s8 =	ssub.s32 $0x2, s8  }
0xb: {  	_ =	strace $0x80000047;
	s9 =	sor.u32 s10, s9;
	s28 =	sshrl.u32 s8, $0x1  }
0xc: {  	v0 =	vlaneseq.u32;
	s10 =	simm.s32 $0x4;
	s11 =	sshrl.u32 s9, $0x2;
	s29 =	sshll.u32 s9, $0x1  }
0xd: {  	v0 =	vand.u32 $0x7, v0;
	s12 =	ssub.s32 s8, s28;
	s4 =	sadd.s32 s4, s11;
	s5 =	sadd.s32 s6, s29  }
0xe: {  	v0 =	vmul.u32 $0x2, v0;
	s9 =	sadd.s32 s29, s26;
	s30 =	sadd.s32 $0x400, s29;
	s6 =	sadd.s32 s7, s29  }
0xf: {  	s11 =	simm.s32 $0x200;
	s7 =	sadd.s32 $0x2, s9;
	s31 =	sand.u32 $0x7C00, s30  }
0x10: {  	vm0 =	vmmov $0xff;
	v1 =	vor.u32 $0x1, v0;
	s9 =	smax.u32 s12, $0x1;
	s12 =	simm.s32 $0x400;
	s8 =	sadd.s32 s26, s31  }
.LBB2_1:
0x11: {  	[tilespmem:s2], [sflag:$0x4] =	stream.linear.gather [hbm4b:s4+s2], $0x400, $0x38;
	[tilespmem:$0x4800] =	vst v63  }
0x12: {  	_ =	swait.ge [sflag:s10], $0x400  }
0x13: {  	[sflag:s10] =	ssyncset.done $0x0  }
0x14: {  	[sflag:s10] =	ssyncadd.s32 $0xFFFFFC00  }
0x15: {  	v2 =	vld [tilespmem:$0x0]  }
0x16: {  	v3 =	vld [tilespmem:$0x10]  }
0x17: {  	v4 =	vld [tilespmem:$0x20]  }
0x18: {  	v5 =	vld [tilespmem:$0x30]  }
0x19: {  	v6 =	vld [tilespmem:$0x40]  }
0x1a: {  	v7 =	vld [tilespmem:$0x50]  }
0x1b: {  	v10 =	vld [tilespmem:$0x60];
	v8 =	vperm.xlane v2, v0;
	v9 =	vperm.xlane v3, v0  }
0x1c: {  	v11 =	vld [tilespmem:$0x70];
	v2 =	vperm.xlane v2, v1;
	v3 =	vperm.xlane v3, v1  }
0x1d: {  	v13 =	vld [tilespmem:$0x80];
	v61 =	vperm.xlane v4, v0;
	v12 =	vperm.xlane v5, v0;
	v8 =	vsel vm0, v8, v9  }
0x1e: {  	v63 =	vld [tilespmem:$0x90];
	v62 =	vperm.xlane v5, v1;
	v2 =	vsel vm0, v2, v3;
	v3 =	vperm.xlane v4, v1;
	[tilespmem:$0x400] =	vst v8  }
0x1f: {  	v18 =	vld [tilespmem:$0xA0];
	v16 =	vperm.xlane v6, v0;
	v17 =	vperm.xlane v7, v0;
	[tilespmem:$0x600] =	vst v2;
	v2 =	vsel vm0, v61, v12  }
0x20: {  	v20 =	vld [tilespmem:$0xB0];
	v19 =	vperm.xlane v7, v1;
	[tilespmem:$0x410] =	vst v2;
	v2 =	vsel vm0, v3, v62;
	v3 =	vperm.xlane v6, v1  }
0x21: {  	v23 =	vld [tilespmem:$0xC0];
	v21 =	vperm.xlane v10, v0;
	v22 =	vperm.xlane v11, v0;
	[tilespmem:$0x610] =	vst v2;
	v2 =	vsel vm0, v16, v17  }
0x22: {  	v25 =	vld [tilespmem:$0xD0];
	v24 =	vperm.xlane v11, v1;
	[tilespmem:$0x420] =	vst v2;
	v2 =	vsel vm0, v3, v19;
	v3 =	vperm.xlane v10, v1  }
0x23: {  	v28 =	vld [tilespmem:$0xE0];
	v26 =	vperm.xlane v13, v0;
	v27 =	vperm.xlane v63, v0;
	[tilespmem:$0x620] =	vst v2;
	v2 =	vsel vm0, v21, v22  }
0x24: {  	v30 =	vld [tilespmem:$0xF0];
	v29 =	vperm.xlane v63, v1;
	[tilespmem:$0x430] =	vst v2;
	v2 =	vsel vm0, v3, v24;
	v3 =	vperm.xlane v13, v1  }
0x25: {  	v33 =	vld [tilespmem:$0x100];
	v31 =	vperm.xlane v18, v0;
	v32 =	vperm.xlane v20, v0;
	[tilespmem:$0x630] =	vst v2;
	v2 =	vsel vm0, v26, v27  }
0x26: {  	v35 =	vld [tilespmem:$0x110];
	v34 =	vperm.xlane v20, v1;
	[tilespmem:$0x440] =	vst v2;
	v2 =	vsel vm0, v3, v29;
	v3 =	vperm.xlane v18, v1  }
0x27: {  	v38 =	vld [tilespmem:$0x120];
	v36 =	vperm.xlane v23, v0;
	v37 =	vperm.xlane v25, v0;
	[tilespmem:$0x640] =	vst v2;
	v2 =	vsel vm0, v31, v32  }
0x28: {  	v40 =	vld [tilespmem:$0x130];
	v39 =	vperm.xlane v25, v1;
	[tilespmem:$0x450] =	vst v2;
	v2 =	vsel vm0, v3, v34;
	v3 =	vperm.xlane v23, v1  }
0x29: {  	v43 =	vld [tilespmem:$0x140];
	v41 =	vperm.xlane v28, v0;
	v42 =	vperm.xlane v30, v0;
	[tilespmem:$0x650] =	vst v2;
	v2 =	vsel vm0, v36, v37  }
0x2a: {  	v45 =	vld [tilespmem:$0x150];
	v44 =	vperm.xlane v30, v1;
	[tilespmem:$0x460] =	vst v2;
	v2 =	vsel vm0, v3, v39;
	v3 =	vperm.xlane v28, v1  }
0x2b: {  	v48 =	vld [tilespmem:$0x160];
	v46 =	vperm.xlane v33, v0;
	v47 =	vperm.xlane v35, v0;
	[tilespmem:$0x660] =	vst v2;
	v2 =	vsel vm0, v41, v42  }
0x2c: {  	v50 =	vld [tilespmem:$0x170];
	v49 =	vperm.xlane v35, v1;
	[tilespmem:$0x470] =	vst v2;
	v2 =	vsel vm0, v3, v44;
	v3 =	vperm.xlane v33, v1  }
0x2d: {  	v53 =	vld [tilespmem:$0x180];
	v51 =	vperm.xlane v38, v0;
	v52 =	vperm.xlane v40, v0;
	[tilespmem:$0x670] =	vst v2;
	v2 =	vsel vm0, v46, v47  }
0x2e: {  	v55 =	vld [tilespmem:$0x190];
	v54 =	vperm.xlane v40, v1;
	[tilespmem:$0x480] =	vst v2;
	v2 =	vsel vm0, v3, v49;
	v3 =	vperm.xlane v38, v1  }
0x2f: {  	v58 =	vld [tilespmem:$0x1A0];
	v56 =	vperm.xlane v43, v0;
	v57 =	vperm.xlane v45, v0;
	[tilespmem:$0x680] =	vst v2;
	v2 =	vsel vm0, v51, v52  }
0x30: {  	v60 =	vld [tilespmem:$0x1B0];
	v59 =	vperm.xlane v45, v1;
	[tilespmem:$0x490] =	vst v2;
	v2 =	vsel vm0, v3, v54;
	v3 =	vperm.xlane v43, v1  }
0x31: {  	v63 =	vld [tilespmem:$0x1C0];
	v61 =	vperm.xlane v48, v0;
	v62 =	vperm.xlane v50, v0;
	[tilespmem:$0x690] =	vst v2;
	v2 =	vsel vm0, v56, v57  }
0x32: {  	v16 =	vperm.xlane v50, v1;
	v17 =	vld [tilespmem:$0x1D0];
	[tilespmem:$0x4A0] =	vst v2;
	v2 =	vsel vm0, v3, v59;
	v3 =	vperm.xlane v48, v1  }
0x33: {  	v20 =	vld [tilespmem:$0x1E0];
	v19 =	vperm.xlane v55, v0;
	v18 =	vperm.xlane v53, v0;
	[tilespmem:$0x6A0] =	vst v2;
	v2 =	vsel vm0, v61, v62  }
0x34: {  	v21 =	vperm.xlane v55, v1;
	v22 =	vld [tilespmem:$0x1F0];
	[tilespmem:$0x4B0] =	vst v2;
	v2 =	vsel vm0, v3, v16;
	v3 =	vperm.xlane v53, v1  }
0x35: {  	v25 =	vld [tilespmem:$0x200];
	v24 =	vperm.xlane v60, v0;
	v23 =	vperm.xlane v58, v0;
	[tilespmem:$0x6B0] =	vst v2;
	v2 =	vsel vm0, v18, v19  }
0x36: {  	v26 =	vperm.xlane v60, v1;
	v27 =	vld [tilespmem:$0x210];
	[tilespmem:$0x4C0] =	vst v2;
	v2 =	vsel vm0, v3, v21;
	v3 =	vperm.xlane v58, v1  }
0x37: {  	v30 =	vld [tilespmem:$0x220];
	v29 =	vperm.xlane v17, v0;
	v28 =	vperm.xlane v63, v0;
	[tilespmem:$0x6C0] =	vst v2;
	v2 =	vsel vm0, v23, v24  }
0x38: {  	v31 =	vperm.xlane v17, v1;
	v32 =	vld [tilespmem:$0x230];
	[tilespmem:$0x4D0] =	vst v2;
	v2 =	vsel vm0, v3, v26;
	v3 =	vperm.xlane v63, v1  }
0x39: {  	v35 =	vld [tilespmem:$0x240];
	v34 =	vperm.xlane v22, v0;
	v33 =	vperm.xlane v20, v0;
	[tilespmem:$0x6D0] =	vst v2;
	v2 =	vsel vm0, v28, v29  }
0x3a: {  	v36 =	vperm.xlane v22, v1;
	v37 =	vld [tilespmem:$0x250];
	[tilespmem:$0x4E0] =	vst v2;
	v2 =	vsel vm0, v3, v31;
	v3 =	vperm.xlane v20, v1  }
0x3b: {  	v40 =	vld [tilespmem:$0x260];
	v39 =	vperm.xlane v27, v0;
	v38 =	vperm.xlane v25, v0;
	[tilespmem:$0x6E0] =	vst v2;
	v2 =	vsel vm0, v33, v34  }
0x3c: {  	v41 =	vperm.xlane v27, v1;
	v42 =	vld [tilespmem:$0x270];
	[tilespmem:$0x4F0] =	vst v2;
	v2 =	vsel vm0, v3, v36;
	v3 =	vperm.xlane v25, v1  }
0x3d: {  	v45 =	vld [tilespmem:$0x280];
	v44 =	vperm.xlane v32, v0;
	v43 =	vperm.xlane v30, v0;
	[tilespmem:$0x6F0] =	vst v2;
	v2 =	vsel vm0, v38, v39  }
0x3e: {  	v46 =	vperm.xlane v32, v1;
	v47 =	vld [tilespmem:$0x290];
	[tilespmem:$0x500] =	vst v2;
	v2 =	vsel vm0, v3, v41;
	v3 =	vperm.xlane v30, v1  }
0x3f: {  	v50 =	vld [tilespmem:$0x2A0];
	v49 =	vperm.xlane v37, v0;
	v48 =	vperm.xlane v35, v0;
	[tilespmem:$0x700] =	vst v2;
	v2 =	vsel vm0, v43, v44  }
0x40: {  	v51 =	vperm.xlane v37, v1;
	v52 =	vld [tilespmem:$0x2B0];
	[tilespmem:$0x510] =	vst v2;
	v2 =	vsel vm0, v3, v46;
	v3 =	vperm.xlane v35, v1  }
0x41: {  	v55 =	vld [tilespmem:$0x2C0];
	v54 =	vperm.xlane v42, v0;
	v53 =	vperm.xlane v40, v0;
	[tilespmem:$0x710] =	vst v2;
	v2 =	vsel vm0, v48, v49  }
0x42: {  	v56 =	vperm.xlane v42, v1;
	v57 =	vld [tilespmem:$0x2D0];
	[tilespmem:$0x520] =	vst v2;
	v2 =	vsel vm0, v3, v51;
	v3 =	vperm.xlane v40, v1  }
0x43: {  	v60 =	vld [tilespmem:$0x2E0];
	v59 =	vperm.xlane v47, v0;
	v58 =	vperm.xlane v45, v0;
	[tilespmem:$0x720] =	vst v2;
	v2 =	vsel vm0, v53, v54  }
0x44: {  	v61 =	vperm.xlane v47, v1;
	v62 =	vld [tilespmem:$0x2F0];
	[tilespmem:$0x530] =	vst v2;
	v2 =	vsel vm0, v3, v56;
	v3 =	vperm.xlane v45, v1  }
0x45: {  	v17 =	vld [tilespmem:$0x300];
	v16 =	vperm.xlane v52, v0;
	v63 =	vperm.xlane v50, v0;
	[tilespmem:$0x730] =	vst v2;
	v2 =	vsel vm0, v58, v59  }
0x46: {  	v18 =	vperm.xlane v52, v1;
	v19 =	vld [tilespmem:$0x310];
	[tilespmem:$0x540] =	vst v2;
	v2 =	vsel vm0, v3, v61;
	v3 =	vperm.xlane v50, v1  }
0x47: {  	v22 =	vld [tilespmem:$0x320];
	v21 =	vperm.xlane v57, v0;
	v20 =	vperm.xlane v55, v0;
	[tilespmem:$0x740] =	vst v2;
	v2 =	vsel vm0, v63, v16  }
0x48: {  	v23 =	vperm.xlane v57, v1;
	v24 =	vld [tilespmem:$0x330];
	[tilespmem:$0x550] =	vst v2;
	v2 =	vsel vm0, v3, v18;
	v3 =	vperm.xlane v55, v1  }
0x49: {  	v27 =	vld [tilespmem:$0x340];
	v26 =	vperm.xlane v62, v0;
	v25 =	vperm.xlane v60, v0;
	[tilespmem:$0x750] =	vst v2;
	v2 =	vsel vm0, v20, v21  }
0x4a: {  	v28 =	vperm.xlane v62, v1;
	v29 =	vld [tilespmem:$0x350];
	[tilespmem:$0x560] =	vst v2;
	v2 =	vsel vm0, v3, v23;
	v3 =	vperm.xlane v60, v1  }
0x4b: {  	v32 =	vld [tilespmem:$0x360];
	v31 =	vperm.xlane v19, v0;
	v30 =	vperm.xlane v17, v0;
	[tilespmem:$0x760] =	vst v2;
	v2 =	vsel vm0, v25, v26  }
0x4c: {  	v33 =	vperm.xlane v19, v1;
	v34 =	vld [tilespmem:$0x370];
	[tilespmem:$0x570] =	vst v2;
	v2 =	vsel vm0, v3, v28;
	v3 =	vperm.xlane v17, v1  }
0x4d: {  	v37 =	vld [tilespmem:$0x380];
	v36 =	vperm.xlane v24, v0;
	v35 =	vperm.xlane v22, v0;
	[tilespmem:$0x770] =	vst v2;
	v2 =	vsel vm0, v30, v31  }
0x4e: {  	v38 =	vperm.xlane v24, v1;
	v39 =	vld [tilespmem:$0x390];
	[tilespmem:$0x580] =	vst v2;
	v2 =	vsel vm0, v3, v33;
	v3 =	vperm.xlane v22, v1  }
0x4f: {  	v42 =	vld [tilespmem:$0x3A0];
	v41 =	vperm.xlane v29, v0;
	v40 =	vperm.xlane v27, v0;
	[tilespmem:$0x780] =	vst v2;
	v2 =	vsel vm0, v35, v36  }
0x50: {  	v43 =	vperm.xlane v29, v1;
	v44 =	vld [tilespmem:$0x3B0];
	[tilespmem:$0x590] =	vst v2;
	v2 =	vsel vm0, v3, v38;
	v3 =	vperm.xlane v27, v1  }
0x51: {  	v47 =	vld [tilespmem:$0x3C0];
	v46 =	vperm.xlane v34, v0;
	v45 =	vperm.xlane v32, v0;
	[tilespmem:$0x790] =	vst v2;
	v2 =	vsel vm0, v40, v41  }
0x52: {  	v48 =	vperm.xlane v34, v1;
	v49 =	vld [tilespmem:$0x3D0];
	[tilespmem:$0x5A0] =	vst v2;
	v2 =	vsel vm0, v3, v43;
	v3 =	vperm.xlane v32, v1  }
0x53: {  	v52 =	vld [tilespmem:$0x3E0];
	v51 =	vperm.xlane v39, v0;
	v50 =	vperm.xlane v37, v0;
	[tilespmem:$0x7A0] =	vst v2;
	v2 =	vsel vm0, v45, v46  }
0x54: {  	v53 =	vperm.xlane v39, v1;
	v54 =	vld [tilespmem:$0x3F0];
	[tilespmem:$0x5B0] =	vst v2;
	v2 =	vsel vm0, v3, v48;
	v3 =	vperm.xlane v37, v1  }
0x55: {  	v56 =	vperm.xlane v44, v0;
	v55 =	vperm.xlane v42, v0;
	[tilespmem:$0x7B0] =	vst v2;
	v2 =	vsel vm0, v50, v51  }
0x56: {  	v57 =	vperm.xlane v44, v1;
	[tilespmem:$0x5C0] =	vst v2;
	v2 =	vsel vm0, v3, v53;
	v3 =	vperm.xlane v42, v1  }
0x57: {  	v58 =	vperm.xlane v47, v0;
	v59 =	vperm.xlane v49, v0;
	[tilespmem:$0x7C0] =	vst v2;
	v2 =	vsel vm0, v55, v56  }
0x58: {  	v60 =	vperm.xlane v49, v1;
	[tilespmem:$0x5D0] =	vst v2;
	v2 =	vsel vm0, v3, v57;
	v3 =	vperm.xlane v47, v1  }
0x59: {  	v61 =	vperm.xlane v52, v0;
	v62 =	vperm.xlane v54, v0;
	[tilespmem:$0x7D0] =	vst v2;
	v2 =	vsel vm0, v58, v59  }
0x5a: {  	v63 =	vperm.xlane v54, v1;
	[tilespmem:$0x5E0] =	vst v2;
	v2 =	vsel vm0, v3, v60;
	v3 =	vperm.xlane v52, v1  }
0x5b: {  	[tilespmem:$0x7E0] =	vst v2;
	v2 =	vsel vm0, v61, v62  }
0x5c: {  	[tilespmem:$0x5F0] =	vst v2;
	v2 =	vsel vm0, v3, v63  }
0x5d: {  	[tilespmem:$0x7F0] =	vst v2  }
0x5e: {  	[tilespmem:s13], [sflag:$0x1] =	stream.indirect.gather [hbm4b:s3+s11], $0x10, s12, s11, $0xb8;
	[tilespmem:$0x4800] =	vst v63  }
0x5f: {  	_ = 	snop  }
0x60: {  	[tilespmem:s15], [sflag:$0x2] =	stream.indirect.gather [hbm4b:s3+s11], $0x10, s14, s11, $0xb8;
	[tilespmem:$0x4800] =	vst v63  }
0x61: {  	_ =	swait.ge [sflag:s16], $0x2000  }
0x62: {  	[sflag:s16] =	ssyncset.done $0x0  }
0x63: {  	[sflag:s16] =	ssyncadd.s32 $0xFFFFE000  }
0x64: {  	[hbm4b:s5+s2] =	stream.linear.scatter [tilespmem:s13], [sflag:$0x3], $0x2000, $0x38;
	[tilespmem:$0x4800] =	vst v63  }
0x65: {  	_ =	swait.ge [sflag:s17], $0x2000  }
0x66: {  	[sflag:s17] =	ssyncset.done $0x0  }
0x67: {  	[sflag:s17] =	ssyncadd.s32 $0xFFFFE000  }
0x68: {  	[hbm4b:s6+s2] =	stream.linear.scatter [tilespmem:s15], [sflag:$0x3], $0x2000, $0x38;
	[tilespmem:$0x4800] =	vst v63  }
0x69: {  	_ = 	snop  }
0x6a: {  	[hbm4b:s7+s2] =	stream.linear.scatter [tilespmem:s15], [sflag:$0x3], $0x1FF0, $0x38;
	[tilespmem:$0x4800] =	vst v63  }
0x6b: {  	_ = 	snop  }
0x6c: {  	[hbm4b:s8+s2] =	stream.linear.scatter [tilespmem:s18], [sflag:$0x3], $0x10, $0x38;
	[tilespmem:$0x4800] =	vst v63  }
0x6d: {  	_ =	swait.ge [sflag:s19], $0x2000  }
0x6e: {  	[sflag:s19] =	ssyncset.done $0x0  }
0x6f: {  	[sflag:s19] =	ssyncadd.s32 $0xFFFFE000  }
0x70: {  	_ =	swait.ge [sflag:s19], $0x2000  }
0x71: {  	[sflag:s19] =	ssyncset.done $0x0  }
0x72: {  	[sflag:s19] =	ssyncadd.s32 $0xFFFFE000  }
0x73: {  	p0 =	sne.s32 s9, $0x1;
	_ =	swait.ge [sflag:s19], $0x1FF0  }
.Ltmp0:
0x74: {  	[sflag:s19] =	ssyncset.done $0x0;
	(pc) =	sbr.rel @p0 .LBB2_1-.Ltmp0, $4  }
0x75: {  	[sflag:s19] =	ssyncadd.s32 $0xFFFFE010  }
0x76: {  	_ =	swait.ge [sflag:s19], $0x10  }
0x77: {  	[sflag:s19] =	ssyncset.done $0x0  }
0x78: {  	s9 =	sadd.s32 $0xFFFFFFFF, s9;
	[sflag:s19] =	ssyncadd.s32 $0xFFFFFFF0  }
0x79: {  	_ =	sfence.sel $0x180000  }
0x7a: {  	[bflag:$0x0] =	sbarrier.arrive $0xFFFF  }
0x7b: {  	p0 =	sne.s32 s1, $0x0;
	_ =	strace $0x90000047  }
0x7c: {  	s0 =	sadd.s32 @!p0 $0x100000, s0;
	[bflag:$0x2] =	sbarrier.arrive $0xFFFF  }
0x7d: {  	[sflag:s0] =	ssyncadd.tile.s32 @!p0 $0x1;
	_ =	shalt  }
.Lfunc_end2:
_tile_overlayer_lowered:
.L_overlay_start_2:
0x7e: {  	(tag) =	ssettag $0x2  }
0x7f: {  	s0 =	rddreg [dreg:$0x0];
	s2 =	stileid.u32  }
0x80: {  	s1 =	rddreg [dreg:$0x1];
	p0 =	sne.s32 s2, $0x0  }
0x81: {  	s3 =	rddreg [dreg:$0x2];
	[bflag:$0x3] =	sbarrier.arrive $0xFFFF;
	s2 =	simm.s32 @!p0 $0x1C04  }
0x82: {  	[timem:s3], [sflag:s2] =	dma.local @!p0 [hbm:s0], s1  }
0x83: {  	s0 =	simm.s32 @!p0 $0x4  }
0x84: {  	_ =	swait.ge @!p0 [sflag:s0], s1  }
0x85: {  	s1 =	ssub.s32 @!p0 $0x0, s1;
	[sflag:s0] =	ssyncset.done @!p0 $0x0  }
0x86: {  	[sflag:s0] =	ssyncadd.s32 @!p0 s1  }
0x87: {  	[bflag:$0x3] =	sbarrier.arrive $0xFFFF  }
0x88: {  	_ =	shalt  }

</sc_bundles>
